<compile_context>
chip_gen: v7x
topology: tpu7x:2x2x1
jax: 0.10.2.dev20260603
libtpu: 0.0.44.dev20260713+nightly
codegen_flags: <defaults>
</compile_context>

<pallas_src>
import jax
import jax.numpy as jnp
from jax import lax
from jax.experimental import pallas as pl
from jax.experimental.pallas import tpu as pltpu
from jax.experimental.pallas import tpu_sc as plsc

N = 10000
E = 320000
D = 128

NC = 2
NS = 16
NW = NC * NS

CH = 125
CPW = 80
PAD_ROWS = NW * CPW

IGRP = 40
NGRP = CPW // IGRP
NBUF = 2

N_PAD = 10112
RPT = N_PAD // NS

DEGW = 128

_mesh = plsc.VectorSubcoreMesh(
    core_axis_name="c", subcore_axis_name="s", num_cores=NC, num_subcores=NS)


HR = 80
ZH = HR * 128
EPW = CPW * CH
ESTG = 2000
CT = 10
CRPT = HR // CT


def _deg_body(dst1d_hbm, zhist_hbm, out_hbm, didx1d, hist, tbuf, part, dacc16):
    c = lax.axis_index("c")
    s = lax.axis_index("s")
    w = s * NC + c
    ebase = w * EPW

    pltpu.sync_copy(zhist_hbm, hist)
    ones16 = jnp.ones((16,), jnp.float32)

    def stage(k, _):
        pltpu.sync_copy(dst1d_hbm.at[pl.ds(ebase + k * ESTG, ESTG)], didx1d)

        def cnt(i, _):
            idx = didx1d[pl.ds(i * 16, 16)]
            row = lax.shift_right_logical(idx, 7)
            col = jnp.bitwise_and(idx, 127)
            plsc.addupdate_scatter(hist, [row, col], ones16)
            return 0
        lax.fori_loop(0, ESTG // 16, cnt, 0)
        return 0
    lax.fori_loop(0, EPW // ESTG, stage, 0)

    pltpu.sync_copy(hist, dacc16.at[s])
    plsc.subcore_barrier()

    @pl.when(s < CT)
    def _():
        pltpu.sync_copy(dacc16.at[0, pl.ds(s * CRPT, CRPT)], part)

        def comb(t, _):
            pltpu.sync_copy(dacc16.at[t, pl.ds(s * CRPT, CRPT)], tbuf)

            def addr(r, _):
                def addv(i, _):
                    sl = pl.ds(i * 16, 16)
                    part[r, sl] = part[r, sl] + tbuf[r, sl]
                    return 0
                lax.fori_loop(0, 8, addv, 0)
                return 0
            lax.fori_loop(0, CRPT, addr, 0)
            return 0
        lax.fori_loop(1, NS, comb, 0)

        pltpu.sync_copy(part, out_hbm.at[c, pl.ds(s * CRPT, CRPT)])


_deg_kernel = pl.kernel(
    _deg_body,
    out_type=jax.ShapeDtypeStruct((NC, HR, 128), jnp.float32),
    mesh=_mesh,
    scratch_types=[
        pltpu.VMEM((ESTG,), jnp.int32),
        pltpu.VMEM((HR, 128), jnp.float32),
        pltpu.VMEM((CRPT, 128), jnp.float32),
        pltpu.VMEM((CRPT, 128), jnp.float32),
        pltpu.VMEM_SHARED((NS, HR, 128), jnp.float32),
    ],
    compiler_params=pltpu.CompilerParams(needs_layout_passes=False),
)


def _mp_body(srcc_hbm, dstc_hbm, g_hbm, zrows_hbm, out_hbm,
             sidx, didx, rows, acc, sems):
    c = lax.axis_index("c")
    s = lax.axis_index("s")
    w = s * NC + c
    base = w * CPW

    pltpu.sync_copy(zrows_hbm, acc.at[pl.ds(s * RPT, RPT)])
    plsc.subcore_barrier()

    def issue(j, b):
        pltpu.async_copy(g_hbm.at[sidx.at[j]], rows.at[b], sems.at[b])

    def group(g, _):
        gbase = base + g * IGRP
        pltpu.sync_copy(srcc_hbm.at[pl.ds(gbase, IGRP)], sidx)
        pltpu.sync_copy(dstc_hbm.at[pl.ds(gbase, IGRP)], didx)

        for b in range(NBUF - 1):
            issue(b, b)

        def body(i, _):
            j0 = i * NBUF
            for b in range(NBUF):
                j = j0 + b
                nb = (b + NBUF - 1) % NBUF
                @pl.when(j + NBUF - 1 < IGRP)
                def _():
                    issue(j + NBUF - 1, nb)
                pltpu.make_async_copy(
                    g_hbm.at[sidx.at[j]], rows.at[b], sems.at[b]).wait()
                pltpu.sync_copy(rows.at[b], acc.at[didx.at[j]], add=True)
            return 0
        lax.fori_loop(0, IGRP // NBUF, body, 0)
        return 0
    lax.fori_loop(0, NGRP, group, 0)

    plsc.subcore_barrier()
    pltpu.sync_copy(acc.at[pl.ds(s * RPT, RPT)],
                    out_hbm.at[c, pl.ds(s * RPT, RPT)])


_mp_kernel = pl.kernel(
    _mp_body,
    out_type=jax.ShapeDtypeStruct((NC, N_PAD, D), jnp.float32),
    mesh=_mesh,
    scratch_types=[
        pltpu.VMEM((IGRP, CH), jnp.int32),
        pltpu.VMEM((IGRP, CH), jnp.int32),
        pltpu.VMEM((NBUF, CH, D), jnp.float32),
        pltpu.VMEM_SHARED((N_PAD, D), jnp.float32),
        pltpu.SemaphoreType.DMA((NBUF,)),
    ],
)


BN = 1000


DVW = 8


def _tc1_body(x_ref, deg_ref, w1_ref, g1_ref, dinv_ref):
    deg = deg_ref[:, 0:1] + deg_ref[:, 1:2] + 1.0
    dinv = lax.rsqrt(jnp.maximum(deg, 1.0))
    h = jnp.dot(x_ref[...], w1_ref[...], preferred_element_type=jnp.float32)
    g1_ref[...] = h * dinv
    dinv_ref[...] = jnp.broadcast_to(dinv, (BN, DVW))


def _tc2_body(acc_ref, g1_ref, dinv_ref, b1_ref, al1_ref, w2_ref, g2_ref):
    dinv = dinv_ref[:, 0:1]
    pre = dinv * (acc_ref[0] + acc_ref[1] + g1_ref[...]) + b1_ref[...]
    z = jnp.where(pre >= 0, pre, al1_ref[...] * pre)
    h2 = jnp.dot(z, w2_ref[...], preferred_element_type=jnp.float32)
    g2_ref[...] = h2 * dinv


def _tc3_body(acc_ref, g2_ref, dinv_ref, b2_ref, al2_ref, out_ref):
    dinv = dinv_ref[:, 0:1]
    pre = dinv * (acc_ref[0] + acc_ref[1] + g2_ref[...]) + b2_ref[...]
    out_ref[...] = jnp.where(pre >= 0, pre, al2_ref[...] * pre)


def _row_spec(width):
    return pl.BlockSpec((BN, width), lambda i: (i, 0))


def _pair_spec(width):
    return pl.BlockSpec((NC, BN, width), lambda i: (0, i, 0))


def _full_spec(shape):
    return pl.BlockSpec(shape, lambda i: tuple(0 for _ in shape))


def kernel(x, edge_index, W1, b1, a1, W2, b2, a2):
    srcc = edge_index[0].reshape(PAD_ROWS, CH)
    dstc = edge_index[1].reshape(PAD_ROWS, CH)

    zacc = jnp.zeros((RPT, D), jnp.float32)

    zhist = jnp.zeros((HR, 128), jnp.float32)
    degp = _deg_kernel(edge_index[1], zhist)
    degT = degp.reshape(NC, ZH).T

    b1r = b1.reshape(1, D)
    a1r = a1.reshape(1, D)
    b2r = b2.reshape(1, D)
    a2r = a2.reshape(1, D)

    grid = (N // BN,)
    g1, dinv8 = pl.pallas_call(
        _tc1_body,
        grid=grid,
        in_specs=[_row_spec(D), _row_spec(2), _full_spec((D, D))],
        out_specs=[_row_spec(D), _row_spec(DVW)],
        out_shape=[jax.ShapeDtypeStruct((N, D), jnp.float32),
                   jax.ShapeDtypeStruct((N, DVW), jnp.float32)],
    )(x, degT, W1)

    acc1 = _mp_kernel(srcc, dstc, g1, zacc)

    g2 = pl.pallas_call(
        _tc2_body,
        grid=grid,
        in_specs=[_pair_spec(D), _row_spec(D), _row_spec(DVW),
                  _full_spec((1, D)), _full_spec((1, D)), _full_spec((D, D))],
        out_specs=_row_spec(D),
        out_shape=jax.ShapeDtypeStruct((N, D), jnp.float32),
    )(acc1, g1, dinv8, b1r, a1r, W2)

    acc2 = _mp_kernel(srcc, dstc, g2, zacc)

    out = pl.pallas_call(
        _tc3_body,
        grid=grid,
        in_specs=[_pair_spec(D), _row_spec(D), _row_spec(DVW),
                  _full_spec((1, D)), _full_spec((1, D))],
        out_specs=_row_spec(D),
        out_shape=jax.ShapeDtypeStruct((N, D), jnp.float32),
    )(acc2, g2, dinv8, b2r, a2r)

    return out

# --- scband reference (transcript-rebuilt; emitter-appended) ---
"""Pipeline reference for scband-encoder-34127810134593 (READ-ONLY COPY).

The authoritative reference and input builder live on the scoring server;
editing this copy changes nothing except your own understanding.
"""

import jax, jax.numpy as jnp
import numpy as np

N, E, D, H = 10000, 320000, 128, 128

def setup_inputs(seed: int = 0):
    key = jax.random.key(seed)
    k1, k2, k3, k4, k5, k6 = jax.random.split(key, 6)
    x = jax.random.normal(k1, (N, D), dtype=jnp.float32)
    edge_index = jax.random.randint(k2, (2, E), 0, N, dtype=jnp.int32)
    s1 = 1.0 / np.sqrt(D)
    s2 = 1.0 / np.sqrt(H)
    W1 = jax.random.uniform(k3, (D, H), dtype=jnp.float32, minval=-s1, maxval=s1)
    b1 = jnp.zeros((H,), dtype=jnp.float32)
    a1 = jnp.full((H,), 0.25, dtype=jnp.float32)
    W2 = jax.random.uniform(k4, (H, H), dtype=jnp.float32, minval=-s2, maxval=s2)
    b2 = jnp.zeros((H,), dtype=jnp.float32)
    a2 = jnp.full((H,), 0.25, dtype=jnp.float32)
    return {"x": x, "edge_index": edge_index, "W1": W1, "b1": b1, "a1": a1, "W2": W2, "b2": b2, "a2": a2}

def _gcn_conv(x, edge_index, W, b):
    n = x.shape[0]
    loops = jnp.arange(n, dtype=edge_index.dtype)
    src = jnp.concatenate([edge_index[0], loops])
    dst = jnp.concatenate([edge_index[1], loops])
    deg = jnp.zeros((n,), dtype=x.dtype).at[dst].add(1.0)
    dinv = jax.lax.rsqrt(jnp.maximum(deg, 1.0))
    norm = dinv[src] * dinv[dst]
    h = x @ W
    msg = h[src] * norm[:, None]
    out = jnp.zeros((n, h.shape[1]), dtype=x.dtype).at[dst].add(msg)
    return out + b

def _prelu(x, a):
    return jnp.where(x >= 0, x, a * x)

def reference(x, edge_index, W1, b1, a1, W2, b2, a2):
    h = _prelu(_gcn_conv(x, edge_index, W1, b1), a1)
    h = _prelu(_gcn_conv(h, edge_index, W2, b2), a2)
    return h

if __name__ == "__main__":
    import jax
    _d = setup_inputs()
    print(jax.jit(kernel)(*tuple(_d.values())))

</pallas_src>

<mosaic_0001>
#map = affine_map<(d0, d1) -> (0, 0)>
#map1 = affine_map<(d0, d1) -> (0, 0, 0)>
module attributes {stable_mosaic.version = 14 : i64} {
  func.func @_mp_body(%arg0: i32, %arg1: i32, %arg2: memref<2560x125xi32, #tpu.memory_space<hbm>>, %arg3: memref<2560x125xi32, #tpu.memory_space<hbm>>, %arg4: memref<10000x128xf32, #tpu.memory_space<hbm>>, %arg5: memref<632x128xf32, #tpu.memory_space<hbm>>, %arg6: memref<2x10112x128xf32, #tpu.memory_space<hbm>>, %arg7: memref<40x125xi32, #tpu.memory_space<vmem>>, %arg8: memref<40x125xi32, #tpu.memory_space<vmem>>, %arg9: memref<2x125x128xf32, #tpu.memory_space<vmem>>, %arg10: memref<10112x128xf32, #tpu.memory_space<vmem_shared>>, %arg11: memref<2x!tpu.dma_semaphore, #tpu.memory_space<semaphore_mem>>) attributes {dimension_semantics = [#tpu.dimension_semantics<core_parallel>, #tpu.dimension_semantics<subcore_parallel>], iteration_bounds = array<i64: 2, 16>, scalar_prefetch = 0 : i64, scratch_operands = 5 : i64, tpu.core_type = #tpu.core_type<sc_vector_subcore>, window_params = [{transform_indices = #map}, {transform_indices = #map}, {transform_indices = #map}, {transform_indices = #map}, {transform_indices = #map1}]} {
    %mul3A = arith.constant 2 : i32
    %mul3A_0 = arith.muli %arg1, %mul3A : i32
    %add3A = arith.addi %mul3A_0, %arg0 : i32
    %mul3A_1 = arith.constant 80 : i32
    %mul3A_2 = arith.muli %add3A, %mul3A_1 : i32
    %mul3A_3 = arith.constant 632 : i32
    %mul3A_4 = arith.muli %arg1, %mul3A_3 : i32
    "tpu.region"() ({
      %run_scoped3A = tpu.sem_alloc : memref<!tpu.dma_semaphore, #tpu.memory_space<semaphore_mem>>
      %dma_start3A = arith.constant 0 : i32
      %dma_start3A_16 = tpu.memref_slice %arg10[%mul3A_4, %dma_start3A] : memref<10112x128xf32, #tpu.memory_space<vmem_shared>> -> memref<632x128xf32, #tpu.memory_space<vmem_shared>>
      tpu.enqueue_dma source(%arg5 : memref<632x128xf32, #tpu.memory_space<hbm>>) target(%dma_start3A_16 : memref<632x128xf32, #tpu.memory_space<vmem_shared>>) target_semaphore(%run_scoped3A : memref<!tpu.dma_semaphore, #tpu.memory_space<semaphore_mem>>)
      %dma_wait3A = arith.constant 0 : i32
      %dma_wait3A_17 = tpu.memref_slice %arg10[%mul3A_4, %dma_wait3A] : memref<10112x128xf32, #tpu.memory_space<vmem_shared>> -> memref<632x128xf32, #tpu.memory_space<vmem_shared>>
      tpu.wait_dma2 semaphore(%run_scoped3A : memref<!tpu.dma_semaphore, #tpu.memory_space<semaphore_mem>>) src(%arg5 : memref<632x128xf32, #tpu.memory_space<hbm>>) dst(%dma_wait3A_17 : memref<632x128xf32, #tpu.memory_space<vmem_shared>>)
      tpu.yield
    }) : () -> ()
    %barrier3A = arith.constant 0 : index
    tpu.barrier barrier_id(%barrier3A)
    %scan3A = arith.constant 0 : i32
    %scan3A_5 = arith.constant 0 : i32
    %scan3A_6 = arith.constant 2 : i32
    %scan3A_7 = arith.addi %scan3A_5, %scan3A_6 : i32
    %scan3A_8 = arith.constant 1 : i32
    %scan3A_9 = scf.for %scan3A_16 = %scan3A_5 to %scan3A_7 step %scan3A_8 iter_args(%scan3A_17 = %scan3A) -> (i32)  : i32 {
      %mul3A_18 = arith.constant 40 : i32
      %mul3A_19 = arith.muli %scan3A_16, %mul3A_18 : i32
      %add3A_20 = arith.addi %mul3A_2, %mul3A_19 : i32
      "tpu.region"() ({
        %run_scoped3A = tpu.sem_alloc : memref<!tpu.dma_semaphore, #tpu.memory_space<semaphore_mem>>
        %dma_start3A_43 = arith.constant 0 : i32
        %dma_start3A_44 = tpu.memref_slice %arg2[%add3A_20, %dma_start3A_43] : memref<2560x125xi32, #tpu.memory_space<hbm>> -> memref<40x125xi32, #tpu.memory_space<hbm>>
        %dma_start3A_45 = arith.constant 0 : i32
        %dma_start3A_46 = tpu.memref_slice %arg2[%add3A_20, %dma_start3A_45] : memref<2560x125xi32, #tpu.memory_space<hbm>> -> memref<40x125xi32, #tpu.memory_space<hbm>>
        tpu.enqueue_dma source(%dma_start3A_46 : memref<40x125xi32, #tpu.memory_space<hbm>>) target(%arg7 : memref<40x125xi32, #tpu.memory_space<vmem>>) target_semaphore(%run_scoped3A : memref<!tpu.dma_semaphore, #tpu.memory_space<semaphore_mem>>)
        %dma_wait3A = arith.constant 0 : i32
        %dma_wait3A_47 = tpu.memref_slice %arg2[%add3A_20, %dma_wait3A] : memref<2560x125xi32, #tpu.memory_space<hbm>> -> memref<40x125xi32, #tpu.memory_space<hbm>>
        %dma_wait3A_48 = arith.constant 0 : i32
        %dma_wait3A_49 = tpu.memref_slice %arg2[%add3A_20, %dma_wait3A_48] : memref<2560x125xi32, #tpu.memory_space<hbm>> -> memref<40x125xi32, #tpu.memory_space<hbm>>
        tpu.wait_dma2 semaphore(%run_scoped3A : memref<!tpu.dma_semaphore, #tpu.memory_space<semaphore_mem>>) src(%dma_wait3A_49 : memref<40x125xi32, #tpu.memory_space<hbm>>) dst(%arg7 : memref<40x125xi32, #tpu.memory_space<vmem>>)
        tpu.yield
      }) : () -> ()
      "tpu.region"() ({
        %run_scoped3A = tpu.sem_alloc : memref<!tpu.dma_semaphore, #tpu.memory_space<semaphore_mem>>
        %dma_start3A_43 = arith.constant 0 : i32
        %dma_start3A_44 = tpu.memref_slice %arg3[%add3A_20, %dma_start3A_43] : memref<2560x125xi32, #tpu.memory_space<hbm>> -> memref<40x125xi32, #tpu.memory_space<hbm>>
        %dma_start3A_45 = arith.constant 0 : i32
        %dma_start3A_46 = tpu.memref_slice %arg3[%add3A_20, %dma_start3A_45] : memref<2560x125xi32, #tpu.memory_space<hbm>> -> memref<40x125xi32, #tpu.memory_space<hbm>>
        tpu.enqueue_dma source(%dma_start3A_46 : memref<40x125xi32, #tpu.memory_space<hbm>>) target(%arg8 : memref<40x125xi32, #tpu.memory_space<vmem>>) target_semaphore(%run_scoped3A : memref<!tpu.dma_semaphore, #tpu.memory_space<semaphore_mem>>)
        %dma_wait3A = arith.constant 0 : i32
        %dma_wait3A_47 = tpu.memref_slice %arg3[%add3A_20, %dma_wait3A] : memref<2560x125xi32, #tpu.memory_space<hbm>> -> memref<40x125xi32, #tpu.memory_space<hbm>>
        %dma_wait3A_48 = arith.constant 0 : i32
        %dma_wait3A_49 = tpu.memref_slice %arg3[%add3A_20, %dma_wait3A_48] : memref<2560x125xi32, #tpu.memory_space<hbm>> -> memref<40x125xi32, #tpu.memory_space<hbm>>
        tpu.wait_dma2 semaphore(%run_scoped3A : memref<!tpu.dma_semaphore, #tpu.memory_space<semaphore_mem>>) src(%dma_wait3A_49 : memref<40x125xi32, #tpu.memory_space<hbm>>) dst(%arg8 : memref<40x125xi32, #tpu.memory_space<vmem>>)
        tpu.yield
      }) : () -> ()
      %dma_start3A = arith.constant 0 : i32
      %dma_start3A_21 = arith.constant 0 : i32
      %dma_start3A_22 = arith.constant 0 : i32
      %dma_start3A_23 = arith.constant 0 : i32
      %dma_start3A_24 = arith.constant 0 : i32
      %dma_start3A_25 = tpu.memref_slice %arg9[%dma_start3A_21, %dma_start3A_23, %dma_start3A_24] : memref<2x125x128xf32, #tpu.memory_space<vmem>> -> memref<1x125x128xf32, #tpu.memory_space<vmem>>
      %dma_start3A_26 = tpu.memref_squeeze %dma_start3A_25 : memref<1x125x128xf32, #tpu.memory_space<vmem>> -> memref<125x128xf32, #tpu.memory_space<vmem>>
      %dma_start3A_27 = arith.constant 0 : i32
      %dma_start3A_28 = tpu.memref_slice %arg7[%dma_start3A, %dma_start3A_27] : memref<40x125xi32, #tpu.memory_space<vmem>> -> memref<1x125xi32, #tpu.memory_space<vmem>>
      %dma_start3A_29 = tpu.memref_squeeze %dma_start3A_28 : memref<1x125xi32, #tpu.memory_space<vmem>> -> memref<125xi32, #tpu.memory_space<vmem>>
      %dma_start3A_30 = arith.constant 0 : i32
      %dma_start3A_31 = arith.constant 0 : i32
      %dma_start3A_32 = tpu.memref_slice %arg4[%dma_start3A_30, %dma_start3A_31] : memref<10000x128xf32, #tpu.memory_space<hbm>> -> memref<10000x128xf32, #tpu.memory_space<hbm>>
      %dma_start3A_33 = tpu.memref_slice %arg11[%dma_start3A_22] : memref<2x!tpu.dma_semaphore, #tpu.memory_space<semaphore_mem>> -> memref<1x!tpu.dma_semaphore, #tpu.memory_space<semaphore_mem>>
      %dma_start3A_34 = tpu.memref_squeeze %dma_start3A_33 : memref<1x!tpu.dma_semaphore, #tpu.memory_space<semaphore_mem>> -> memref<!tpu.dma_semaphore, #tpu.memory_space<semaphore_mem>>
      tpu.enqueue_indirect_dma source(%dma_start3A_32 : memref<10000x128xf32, #tpu.memory_space<hbm>>) target(%dma_start3A_26 : memref<125x128xf32, #tpu.memory_space<vmem>>) offsets(%dma_start3A_29 : memref<125xi32, #tpu.memory_space<vmem>>) semaphore(%dma_start3A_34 : memref<!tpu.dma_semaphore, #tpu.memory_space<semaphore_mem>>)
      %scan3A_35 = arith.constant 0 : i32
      %scan3A_36 = arith.constant 0 : i32
      %scan3A_37 = arith.constant 20 : i32
      %scan3A_38 = arith.addi %scan3A_36, %scan3A_37 : i32
      %scan3A_39 = arith.constant 1 : i32
      %scan3A_40 = scf.for %scan3A_43 = %scan3A_36 to %scan3A_38 step %scan3A_39 iter_args(%scan3A_44 = %scan3A_35) -> (i32)  : i32 {
        %mul3A_45 = arith.constant 2 : i32
        %mul3A_46 = arith.muli %scan3A_43, %mul3A_45 : i32
        %add3A_47 = arith.constant 0 : i32
        %add3A_48 = arith.addi %mul3A_46, %add3A_47 : i32
        %add3A_49 = arith.constant 2 : i32
        %add3A_50 = arith.addi %add3A_48, %add3A_49 : i32
        %sub3A = arith.constant 1 : i32
        %sub3A_51 = arith.subi %add3A_50, %sub3A : i32
        %lt3A = arith.constant 40 : i32
        %lt3A_52 = arith.cmpi slt, %sub3A_51, %lt3A : i32
        %convert_element_type3A = arith.extui %lt3A_52 : i1 to i32
        %cond3A = arith.constant 0 : i32
        %cond3A_53 = arith.cmpi ne, %convert_element_type3A, %cond3A : i32
        scf.if %cond3A_53 {
          %add3A_94 = arith.constant 2 : i32
          %add3A_95 = arith.addi %add3A_48, %add3A_94 : i32
          %sub3A_96 = arith.constant 1 : i32
          %sub3A_97 = arith.subi %add3A_95, %sub3A_96 : i32
          %dma_start3A_98 = arith.constant 1 : i32
          %dma_start3A_99 = arith.constant 1 : i32
          %dma_start3A_100 = arith.constant 0 : i32
          %dma_start3A_101 = arith.constant 0 : i32
          %dma_start3A_102 = tpu.memref_slice %arg9[%dma_start3A_98, %dma_start3A_100, %dma_start3A_101] : memref<2x125x128xf32, #tpu.memory_space<vmem>> -> memref<1x125x128xf32, #tpu.memory_space<vmem>>
          %dma_start3A_103 = tpu.memref_squeeze %dma_start3A_102 : memref<1x125x128xf32, #tpu.memory_space<vmem>> -> memref<125x128xf32, #tpu.memory_space<vmem>>
          %dma_start3A_104 = arith.constant 0 : i32
          %dma_start3A_105 = tpu.memref_slice %arg7[%sub3A_97, %dma_start3A_104] : memref<40x125xi32, #tpu.memory_space<vmem>> -> memref<1x125xi32, #tpu.memory_space<vmem>>
          %dma_start3A_106 = tpu.memref_squeeze %dma_start3A_105 : memref<1x125xi32, #tpu.memory_space<vmem>> -> memref<125xi32, #tpu.memory_space<vmem>>
          %dma_start3A_107 = arith.constant 0 : i32
          %dma_start3A_108 = arith.constant 0 : i32
          %dma_start3A_109 = tpu.memref_slice %arg4[%dma_start3A_107, %dma_start3A_108] : memref<10000x128xf32, #tpu.memory_space<hbm>> -> memref<10000x128xf32, #tpu.memory_space<hbm>>
          %dma_start3A_110 = tpu.memref_slice %arg11[%dma_start3A_99] : memref<2x!tpu.dma_semaphore, #tpu.memory_space<semaphore_mem>> -> memref<1x!tpu.dma_semaphore, #tpu.memory_space<semaphore_mem>>
          %dma_start3A_111 = tpu.memref_squeeze %dma_start3A_110 : memref<1x!tpu.dma_semaphore, #tpu.memory_space<semaphore_mem>> -> memref<!tpu.dma_semaphore, #tpu.memory_space<semaphore_mem>>
          tpu.enqueue_indirect_dma source(%dma_start3A_109 : memref<10000x128xf32, #tpu.memory_space<hbm>>) target(%dma_start3A_103 : memref<125x128xf32, #tpu.memory_space<vmem>>) offsets(%dma_start3A_106 : memref<125xi32, #tpu.memory_space<vmem>>) semaphore(%dma_start3A_111 : memref<!tpu.dma_semaphore, #tpu.memory_space<semaphore_mem>>)
        } else {
        }
        %dma_wait3A = arith.constant 0 : i32
        %dma_wait3A_54 = arith.constant 0 : i32
        %dma_wait3A_55 = arith.constant 0 : i32
        %dma_wait3A_56 = arith.constant 0 : i32
        %dma_wait3A_57 = tpu.memref_slice %arg9[%dma_wait3A, %dma_wait3A_55, %dma_wait3A_56] : memref<2x125x128xf32, #tpu.memory_space<vmem>> -> memref<1x125x128xf32, #tpu.memory_space<vmem>>
        %dma_wait3A_58 = tpu.memref_squeeze %dma_wait3A_57 : memref<1x125x128xf32, #tpu.memory_space<vmem>> -> memref<125x128xf32, #tpu.memory_space<vmem>>
        %dma_wait3A_59 = arith.constant 0 : i32
        %dma_wait3A_60 = tpu.memref_slice %arg7[%add3A_48, %dma_wait3A_59] : memref<40x125xi32, #tpu.memory_space<vmem>> -> memref<1x125xi32, #tpu.memory_space<vmem>>
        %dma_wait3A_61 = tpu.memref_squeeze %dma_wait3A_60 : memref<1x125xi32, #tpu.memory_space<vmem>> -> memref<125xi32, #tpu.memory_space<vmem>>
        %dma_wait3A_62 = arith.constant 0 : i32
        %dma_wait3A_63 = arith.constant 0 : i32
        %dma_wait3A_64 = tpu.memref_slice %arg4[%dma_wait3A_62, %dma_wait3A_63] : memref<10000x128xf32, #tpu.memory_space<hbm>> -> memref<10000x128xf32, #tpu.memory_space<hbm>>
        %dma_wait3A_65 = tpu.memref_slice %arg11[%dma_wait3A_54] : memref<2x!tpu.dma_semaphore, #tpu.memory_space<semaphore_mem>> -> memref<1x!tpu.dma_semaphore, #tpu.memory_space<semaphore_mem>>
        %dma_wait3A_66 = tpu.memref_squeeze %dma_wait3A_65 : memref<1x!tpu.dma_semaphore, #tpu.memory_space<semaphore_mem>> -> memref<!tpu.dma_semaphore, #tpu.memory_space<semaphore_mem>>
        tpu.wait_indirect_dma semaphore(%dma_wait3A_66 : memref<!tpu.dma_semaphore, #tpu.memory_space<semaphore_mem>>) src(%dma_wait3A_64 : memref<10000x128xf32, #tpu.memory_space<hbm>>) dst(%dma_wait3A_58 : memref<125x128xf32, #tpu.memory_space<vmem>>)
        %run_scoped3A = arith.constant 0 : i32
        "tpu.region"() ({
          %run_scoped3A_94 = tpu.sem_alloc : memref<!tpu.dma_semaphore, #tpu.memory_space<semaphore_mem>>
          %dma_start3A_95 = arith.constant 0 : i32
          %dma_start3A_96 = arith.constant 0 : i32
          %dma_start3A_97 = tpu.memref_slice %arg9[%run_scoped3A, %dma_start3A_95, %dma_start3A_96] : memref<2x125x128xf32, #tpu.memory_space<vmem>> -> memref<1x125x128xf32, #tpu.memory_space<vmem>>
          %dma_start3A_98 = tpu.memref_squeeze %dma_start3A_97 : memref<1x125x128xf32, #tpu.memory_space<vmem>> -> memref<125x128xf32, #tpu.memory_space<vmem>>
          %dma_start3A_99 = arith.constant 0 : i32
          %dma_start3A_100 = tpu.memref_slice %arg8[%add3A_48, %dma_start3A_99] : memref<40x125xi32, #tpu.memory_space<vmem>> -> memref<1x125xi32, #tpu.memory_space<vmem>>
          %dma_start3A_101 = tpu.memref_squeeze %dma_start3A_100 : memref<1x125xi32, #tpu.memory_space<vmem>> -> memref<125xi32, #tpu.memory_space<vmem>>
          %dma_start3A_102 = arith.constant 0 : i32
          %dma_start3A_103 = arith.constant 0 : i32
          %dma_start3A_104 = tpu.memref_slice %arg10[%dma_start3A_102, %dma_start3A_103] : memref<10112x128xf32, #tpu.memory_space<vmem_shared>> -> memref<10112x128xf32, #tpu.memory_space<vmem_shared>>
          tpu.enqueue_indirect_dma source(%dma_start3A_98 : memref<125x128xf32, #tpu.memory_space<vmem>>) target(%dma_start3A_104 : memref<10112x128xf32, #tpu.memory_space<vmem_shared>>) offsets(%dma_start3A_101 : memref<125xi32, #tpu.memory_space<vmem>>) semaphore(%run_scoped3A_94 : memref<!tpu.dma_semaphore, #tpu.memory_space<semaphore_mem>>) {add = true}
          %dma_wait3A_105 = arith.constant 0 : i32
          %dma_wait3A_106 = arith.constant 0 : i32
          %dma_wait3A_107 = tpu.memref_slice %arg9[%run_scoped3A, %dma_wait3A_105, %dma_wait3A_106] : memref<2x125x128xf32, #tpu.memory_space<vmem>> -> memref<1x125x128xf32, #tpu.memory_space<vmem>>
          %dma_wait3A_108 = tpu.memref_squeeze %dma_wait3A_107 : memref<1x125x128xf32, #tpu.memory_space<vmem>> -> memref<125x128xf32, #tpu.memory_space<vmem>>
          %dma_wait3A_109 = arith.constant 0 : i32
          %dma_wait3A_110 = tpu.memref_slice %arg8[%add3A_48, %dma_wait3A_109] : memref<40x125xi32, #tpu.memory_space<vmem>> -> memref<1x125xi32, #tpu.memory_space<vmem>>
          %dma_wait3A_111 = tpu.memref_squeeze %dma_wait3A_110 : memref<1x125xi32, #tpu.memory_space<vmem>> -> memref<125xi32, #tpu.memory_space<vmem>>
          %dma_wait3A_112 = arith.constant 0 : i32
          %dma_wait3A_113 = arith.constant 0 : i32
          %dma_wait3A_114 = tpu.memref_slice %arg10[%dma_wait3A_112, %dma_wait3A_113] : memref<10112x128xf32, #tpu.memory_space<vmem_shared>> -> memref<10112x128xf32, #tpu.memory_space<vmem_shared>>
          tpu.wait_indirect_dma semaphore(%run_scoped3A_94 : memref<!tpu.dma_semaphore, #tpu.memory_space<semaphore_mem>>) src(%dma_wait3A_108 : memref<125x128xf32, #tpu.memory_space<vmem>>) dst(%dma_wait3A_114 : memref<10112x128xf32, #tpu.memory_space<vmem_shared>>)
          tpu.yield
        }) : () -> ()
        %add3A_67 = arith.constant 1 : i32
        %add3A_68 = arith.addi %mul3A_46, %add3A_67 : i32
        %add3A_69 = arith.constant 2 : i32
        %add3A_70 = arith.addi %add3A_68, %add3A_69 : i32
        %sub3A_71 = arith.constant 1 : i32
        %sub3A_72 = arith.subi %add3A_70, %sub3A_71 : i32
        %lt3A_73 = arith.constant 40 : i32
        %lt3A_74 = arith.cmpi slt, %sub3A_72, %lt3A_73 : i32
        %convert_element_type3A_75 = arith.extui %lt3A_74 : i1 to i32
        %cond3A_76 = arith.constant 0 : i32
        %cond3A_77 = arith.cmpi ne, %convert_element_type3A_75, %cond3A_76 : i32
        scf.if %cond3A_77 {
          %add3A_94 = arith.constant 2 : i32
          %add3A_95 = arith.addi %add3A_68, %add3A_94 : i32
          %sub3A_96 = arith.constant 1 : i32
          %sub3A_97 = arith.subi %add3A_95, %sub3A_96 : i32
          %dma_start3A_98 = arith.constant 0 : i32
          %dma_start3A_99 = arith.constant 0 : i32
          %dma_start3A_100 = arith.constant 0 : i32
          %dma_start3A_101 = arith.constant 0 : i32
          %dma_start3A_102 = tpu.memref_slice %arg9[%dma_start3A_98, %dma_start3A_100, %dma_start3A_101] : memref<2x125x128xf32, #tpu.memory_space<vmem>> -> memref<1x125x128xf32, #tpu.memory_space<vmem>>
          %dma_start3A_103 = tpu.memref_squeeze %dma_start3A_102 : memref<1x125x128xf32, #tpu.memory_space<vmem>> -> memref<125x128xf32, #tpu.memory_space<vmem>>
          %dma_start3A_104 = arith.constant 0 : i32
          %dma_start3A_105 = tpu.memref_slice %arg7[%sub3A_97, %dma_start3A_104] : memref<40x125xi32, #tpu.memory_space<vmem>> -> memref<1x125xi32, #tpu.memory_space<vmem>>
          %dma_start3A_106 = tpu.memref_squeeze %dma_start3A_105 : memref<1x125xi32, #tpu.memory_space<vmem>> -> memref<125xi32, #tpu.memory_space<vmem>>
          %dma_start3A_107 = arith.constant 0 : i32
          %dma_start3A_108 = arith.constant 0 : i32
          %dma_start3A_109 = tpu.memref_slice %arg4[%dma_start3A_107, %dma_start3A_108] : memref<10000x128xf32, #tpu.memory_space<hbm>> -> memref<10000x128xf32, #tpu.memory_space<hbm>>
          %dma_start3A_110 = tpu.memref_slice %arg11[%dma_start3A_99] : memref<2x!tpu.dma_semaphore, #tpu.memory_space<semaphore_mem>> -> memref<1x!tpu.dma_semaphore, #tpu.memory_space<semaphore_mem>>
          %dma_start3A_111 = tpu.memref_squeeze %dma_start3A_110 : memref<1x!tpu.dma_semaphore, #tpu.memory_space<semaphore_mem>> -> memref<!tpu.dma_semaphore, #tpu.memory_space<semaphore_mem>>
          tpu.enqueue_indirect_dma source(%dma_start3A_109 : memref<10000x128xf32, #tpu.memory_space<hbm>>) target(%dma_start3A_103 : memref<125x128xf32, #tpu.memory_space<vmem>>) offsets(%dma_start3A_106 : memref<125xi32, #tpu.memory_space<vmem>>) semaphore(%dma_start3A_111 : memref<!tpu.dma_semaphore, #tpu.memory_space<semaphore_mem>>)
        } else {
        }
        %dma_wait3A_78 = arith.constant 1 : i32
        %dma_wait3A_79 = arith.constant 1 : i32
        %dma_wait3A_80 = arith.constant 0 : i32
        %dma_wait3A_81 = arith.constant 0 : i32
        %dma_wait3A_82 = tpu.memref_slice %arg9[%dma_wait3A_78, %dma_wait3A_80, %dma_wait3A_81] : memref<2x125x128xf32, #tpu.memory_space<vmem>> -> memref<1x125x128xf32, #tpu.memory_space<vmem>>
        %dma_wait3A_83 = tpu.memref_squeeze %dma_wait3A_82 : memref<1x125x128xf32, #tpu.memory_space<vmem>> -> memref<125x128xf32, #tpu.memory_space<vmem>>
        %dma_wait3A_84 = arith.constant 0 : i32
        %dma_wait3A_85 = tpu.memref_slice %arg7[%add3A_68, %dma_wait3A_84] : memref<40x125xi32, #tpu.memory_space<vmem>> -> memref<1x125xi32, #tpu.memory_space<vmem>>
        %dma_wait3A_86 = tpu.memref_squeeze %dma_wait3A_85 : memref<1x125xi32, #tpu.memory_space<vmem>> -> memref<125xi32, #tpu.memory_space<vmem>>
        %dma_wait3A_87 = arith.constant 0 : i32
        %dma_wait3A_88 = arith.constant 0 : i32
        %dma_wait3A_89 = tpu.memref_slice %arg4[%dma_wait3A_87, %dma_wait3A_88] : memref<10000x128xf32, #tpu.memory_space<hbm>> -> memref<10000x128xf32, #tpu.memory_space<hbm>>
        %dma_wait3A_90 = tpu.memref_slice %arg11[%dma_wait3A_79] : memref<2x!tpu.dma_semaphore, #tpu.memory_space<semaphore_mem>> -> memref<1x!tpu.dma_semaphore, #tpu.memory_space<semaphore_mem>>
        %dma_wait3A_91 = tpu.memref_squeeze %dma_wait3A_90 : memref<1x!tpu.dma_semaphore, #tpu.memory_space<semaphore_mem>> -> memref<!tpu.dma_semaphore, #tpu.memory_space<semaphore_mem>>
        tpu.wait_indirect_dma semaphore(%dma_wait3A_91 : memref<!tpu.dma_semaphore, #tpu.memory_space<semaphore_mem>>) src(%dma_wait3A_89 : memref<10000x128xf32, #tpu.memory_space<hbm>>) dst(%dma_wait3A_83 : memref<125x128xf32, #tpu.memory_space<vmem>>)
        %run_scoped3A_92 = arith.constant 1 : i32
        "tpu.region"() ({
          %run_scoped3A_94 = tpu.sem_alloc : memref<!tpu.dma_semaphore, #tpu.memory_space<semaphore_mem>>
          %dma_start3A_95 = arith.constant 0 : i32
          %dma_start3A_96 = arith.constant 0 : i32
          %dma_start3A_97 = tpu.memref_slice %arg9[%run_scoped3A_92, %dma_start3A_95, %dma_start3A_96] : memref<2x125x128xf32, #tpu.memory_space<vmem>> -> memref<1x125x128xf32, #tpu.memory_space<vmem>>
          %dma_start3A_98 = tpu.memref_squeeze %dma_start3A_97 : memref<1x125x128xf32, #tpu.memory_space<vmem>> -> memref<125x128xf32, #tpu.memory_space<vmem>>
          %dma_start3A_99 = arith.constant 0 : i32
          %dma_start3A_100 = tpu.memref_slice %arg8[%add3A_68, %dma_start3A_99] : memref<40x125xi32, #tpu.memory_space<vmem>> -> memref<1x125xi32, #tpu.memory_space<vmem>>
          %dma_start3A_101 = tpu.memref_squeeze %dma_start3A_100 : memref<1x125xi32, #tpu.memory_space<vmem>> -> memref<125xi32, #tpu.memory_space<vmem>>
          %dma_start3A_102 = arith.constant 0 : i32
          %dma_start3A_103 = arith.constant 0 : i32
          %dma_start3A_104 = tpu.memref_slice %arg10[%dma_start3A_102, %dma_start3A_103] : memref<10112x128xf32, #tpu.memory_space<vmem_shared>> -> memref<10112x128xf32, #tpu.memory_space<vmem_shared>>
          tpu.enqueue_indirect_dma source(%dma_start3A_98 : memref<125x128xf32, #tpu.memory_space<vmem>>) target(%dma_start3A_104 : memref<10112x128xf32, #tpu.memory_space<vmem_shared>>) offsets(%dma_start3A_101 : memref<125xi32, #tpu.memory_space<vmem>>) semaphore(%run_scoped3A_94 : memref<!tpu.dma_semaphore, #tpu.memory_space<semaphore_mem>>) {add = true}
          %dma_wait3A_105 = arith.constant 0 : i32
          %dma_wait3A_106 = arith.constant 0 : i32
          %dma_wait3A_107 = tpu.memref_slice %arg9[%run_scoped3A_92, %dma_wait3A_105, %dma_wait3A_106] : memref<2x125x128xf32, #tpu.memory_space<vmem>> -> memref<1x125x128xf32, #tpu.memory_space<vmem>>
          %dma_wait3A_108 = tpu.memref_squeeze %dma_wait3A_107 : memref<1x125x128xf32, #tpu.memory_space<vmem>> -> memref<125x128xf32, #tpu.memory_space<vmem>>
          %dma_wait3A_109 = arith.constant 0 : i32
          %dma_wait3A_110 = tpu.memref_slice %arg8[%add3A_68, %dma_wait3A_109] : memref<40x125xi32, #tpu.memory_space<vmem>> -> memref<1x125xi32, #tpu.memory_space<vmem>>
          %dma_wait3A_111 = tpu.memref_squeeze %dma_wait3A_110 : memref<1x125xi32, #tpu.memory_space<vmem>> -> memref<125xi32, #tpu.memory_space<vmem>>
          %dma_wait3A_112 = arith.constant 0 : i32
          %dma_wait3A_113 = arith.constant 0 : i32
          %dma_wait3A_114 = tpu.memref_slice %arg10[%dma_wait3A_112, %dma_wait3A_113] : memref<10112x128xf32, #tpu.memory_space<vmem_shared>> -> memref<10112x128xf32, #tpu.memory_space<vmem_shared>>
          tpu.wait_indirect_dma semaphore(%run_scoped3A_94 : memref<!tpu.dma_semaphore, #tpu.memory_space<semaphore_mem>>) src(%dma_wait3A_108 : memref<125x128xf32, #tpu.memory_space<vmem>>) dst(%dma_wait3A_114 : memref<10112x128xf32, #tpu.memory_space<vmem_shared>>)
          tpu.yield
        }) : () -> ()
        %scan3A_93 = arith.constant 0 : i32
        scf.yield %scan3A_93 : i32
      }
      %scan3A_41 = arith.constant 20 : i32
      %scan3A_42 = arith.constant 0 : i32
      scf.yield %scan3A_42 : i32
    }
    %scan3A_10 = arith.constant 2 : i32
    %barrier3A_11 = arith.constant 0 : index
    tpu.barrier barrier_id(%barrier3A_11)
    %mul3A_12 = arith.constant 632 : i32
    %mul3A_13 = arith.muli %arg1, %mul3A_12 : i32
    %mul3A_14 = arith.constant 632 : i32
    %mul3A_15 = arith.muli %arg1, %mul3A_14 : i32
    "tpu.region"() ({
      %run_scoped3A = tpu.sem_alloc : memref<!tpu.dma_semaphore, #tpu.memory_space<semaphore_mem>>
      %dma_start3A = arith.constant 0 : i32
      %dma_start3A_16 = tpu.memref_slice %arg6[%arg0, %mul3A_15, %dma_start3A] : memref<2x10112x128xf32, #tpu.memory_space<hbm>> -> memref<1x632x128xf32, #tpu.memory_space<hbm>>
      %dma_start3A_17 = tpu.memref_squeeze %dma_start3A_16 : memref<1x632x128xf32, #tpu.memory_space<hbm>> -> memref<632x128xf32, #tpu.memory_space<hbm>>
      %dma_start3A_18 = arith.constant 0 : i32
      %dma_start3A_19 = tpu.memref_slice %arg10[%mul3A_13, %dma_start3A_18] : memref<10112x128xf32, #tpu.memory_space<vmem_shared>> -> memref<632x128xf32, #tpu.memory_space<vmem_shared>>
      tpu.enqueue_dma source(%dma_start3A_19 : memref<632x128xf32, #tpu.memory_space<vmem_shared>>) target(%dma_start3A_17 : memref<632x128xf32, #tpu.memory_space<hbm>>) target_semaphore(%run_scoped3A : memref<!tpu.dma_semaphore, #tpu.memory_space<semaphore_mem>>)
      %dma_wait3A = arith.constant 0 : i32
      %dma_wait3A_20 = tpu.memref_slice %arg6[%arg0, %mul3A_15, %dma_wait3A] : memref<2x10112x128xf32, #tpu.memory_space<hbm>> -> memref<1x632x128xf32, #tpu.memory_space<hbm>>
      %dma_wait3A_21 = tpu.memref_squeeze %dma_wait3A_20 : memref<1x632x128xf32, #tpu.memory_space<hbm>> -> memref<632x128xf32, #tpu.memory_space<hbm>>
      %dma_wait3A_22 = arith.constant 0 : i32
      %dma_wait3A_23 = tpu.memref_slice %arg10[%mul3A_13, %dma_wait3A_22] : memref<10112x128xf32, #tpu.memory_space<vmem_shared>> -> memref<632x128xf32, #tpu.memory_space<vmem_shared>>
      tpu.wait_dma2 semaphore(%run_scoped3A : memref<!tpu.dma_semaphore, #tpu.memory_space<semaphore_mem>>) src(%dma_wait3A_23 : memref<632x128xf32, #tpu.memory_space<vmem_shared>>) dst(%dma_wait3A_21 : memref<632x128xf32, #tpu.memory_space<hbm>>)
      tpu.yield
    }) : () -> ()
    return
  }
}

#map = affine_map<(d0, d1) -> (0, 0)>
#map1 = affine_map<(d0, d1) -> (0, 0, 0)>
module attributes {stable_mosaic.version = 14 : i64} {
  func.func @_mp_body(%arg0: i32, %arg1: i32, %arg2: memref<2560x125xi32, #tpu.memory_space<hbm>>, %arg3: memref<2560x125xi32, #tpu.memory_space<hbm>>, %arg4: memref<10000x128xf32, #tpu.memory_space<hbm>>, %arg5: memref<632x128xf32, #tpu.memory_space<hbm>>, %arg6: memref<2x10112x128xf32, #tpu.memory_space<hbm>>, %arg7: memref<40x125xi32, #tpu.memory_space<vmem>>, %arg8: memref<40x125xi32, #tpu.memory_space<vmem>>, %arg9: memref<2x125x128xf32, #tpu.memory_space<vmem>>, %arg10: memref<10112x128xf32, #tpu.memory_space<vmem_shared>>, %arg11: memref<2x!tpu.dma_semaphore, #tpu.memory_space<semaphore_mem>>) attributes {dimension_semantics = [#tpu.dimension_semantics<core_parallel>, #tpu.dimension_semantics<subcore_parallel>], iteration_bounds = array<i64: 2, 16>, scalar_prefetch = 0 : i64, scratch_operands = 5 : i64, tpu.core_type = #tpu.core_type<sc_vector_subcore>, window_params = [{transform_indices = #map}, {transform_indices = #map}, {transform_indices = #map}, {transform_indices = #map}, {transform_indices = #map1}]} {
    %mul3A = arith.constant 2 : i32
    %mul3A_0 = arith.muli %arg1, %mul3A : i32
    %add3A = arith.addi %mul3A_0, %arg0 : i32
    %mul3A_1 = arith.constant 80 : i32
    %mul3A_2 = arith.muli %add3A, %mul3A_1 : i32
    %mul3A_3 = arith.constant 632 : i32
    %mul3A_4 = arith.muli %arg1, %mul3A_3 : i32
    "tpu.region"() ({
      %run_scoped3A = tpu.sem_alloc : memref<!tpu.dma_semaphore, #tpu.memory_space<semaphore_mem>>
      %dma_start3A = arith.constant 0 : i32
      %dma_start3A_16 = tpu.memref_slice %arg10[%mul3A_4, %dma_start3A] : memref<10112x128xf32, #tpu.memory_space<vmem_shared>> -> memref<632x128xf32, #tpu.memory_space<vmem_shared>>
      tpu.enqueue_dma source(%arg5 : memref<632x128xf32, #tpu.memory_space<hbm>>) target(%dma_start3A_16 : memref<632x128xf32, #tpu.memory_space<vmem_shared>>) target_semaphore(%run_scoped3A : memref<!tpu.dma_semaphore, #tpu.memory_space<semaphore_mem>>)
      %dma_wait3A = arith.constant 0 : i32
      %dma_wait3A_17 = tpu.memref_slice %arg10[%mul3A_4, %dma_wait3A] : memref<10112x128xf32, #tpu.memory_space<vmem_shared>> -> memref<632x128xf32, #tpu.memory_space<vmem_shared>>
      tpu.wait_dma2 semaphore(%run_scoped3A : memref<!tpu.dma_semaphore, #tpu.memory_space<semaphore_mem>>) src(%arg5 : memref<632x128xf32, #tpu.memory_space<hbm>>) dst(%dma_wait3A_17 : memref<632x128xf32, #tpu.memory_space<vmem_shared>>)
      tpu.yield
    }) : () -> ()
    %barrier3A = arith.constant 0 : index
    tpu.barrier barrier_id(%barrier3A)
    %scan3A = arith.constant 0 : i32
    %scan3A_5 = arith.constant 0 : i32
    %scan3A_6 = arith.constant 2 : i32
    %scan3A_7 = arith.addi %scan3A_5, %scan3A_6 : i32
    %scan3A_8 = arith.constant 1 : i32
    %scan3A_9 = scf.for %scan3A_16 = %scan3A_5 to %scan3A_7 step %scan3A_8 iter_args(%scan3A_17 = %scan3A) -> (i32)  : i32 {
      %mul3A_18 = arith.constant 40 : i32
      %mul3A_19 = arith.muli %scan3A_16, %mul3A_18 : i32
      %add3A_20 = arith.addi %mul3A_2, %mul3A_19 : i32
      "tpu.region"() ({
        %run_scoped3A = tpu.sem_alloc : memref<!tpu.dma_semaphore, #tpu.memory_space<semaphore_mem>>
        %dma_start3A_43 = arith.constant 0 : i32
        %dma_start3A_44 = tpu.memref_slice %arg2[%add3A_20, %dma_start3A_43] : memref<2560x125xi32, #tpu.memory_space<hbm>> -> memref<40x125xi32, #tpu.memory_space<hbm>>
        %dma_start3A_45 = arith.constant 0 : i32
        %dma_start3A_46 = tpu.memref_slice %arg2[%add3A_20, %dma_start3A_45] : memref<2560x125xi32, #tpu.memory_space<hbm>> -> memref<40x125xi32, #tpu.memory_space<hbm>>
        tpu.enqueue_dma source(%dma_start3A_46 : memref<40x125xi32, #tpu.memory_space<hbm>>) target(%arg7 : memref<40x125xi32, #tpu.memory_space<vmem>>) target_semaphore(%run_scoped3A : memref<!tpu.dma_semaphore, #tpu.memory_space<semaphore_mem>>)
        %dma_wait3A = arith.constant 0 : i32
        %dma_wait3A_47 = tpu.memref_slice %arg2[%add3A_20, %dma_wait3A] : memref<2560x125xi32, #tpu.memory_space<hbm>> -> memref<40x125xi32, #tpu.memory_space<hbm>>
        %dma_wait3A_48 = arith.constant 0 : i32
        %dma_wait3A_49 = tpu.memref_slice %arg2[%add3A_20, %dma_wait3A_48] : memref<2560x125xi32, #tpu.memory_space<hbm>> -> memref<40x125xi32, #tpu.memory_space<hbm>>
        tpu.wait_dma2 semaphore(%run_scoped3A : memref<!tpu.dma_semaphore, #tpu.memory_space<semaphore_mem>>) src(%dma_wait3A_49 : memref<40x125xi32, #tpu.memory_space<hbm>>) dst(%arg7 : memref<40x125xi32, #tpu.memory_space<vmem>>)
        tpu.yield
      }) : () -> ()
      "tpu.region"() ({
        %run_scoped3A = tpu.sem_alloc : memref<!tpu.dma_semaphore, #tpu.memory_space<semaphore_mem>>
        %dma_start3A_43 = arith.constant 0 : i32
        %dma_start3A_44 = tpu.memref_slice %arg3[%add3A_20, %dma_start3A_43] : memref<2560x125xi32, #tpu.memory_space<hbm>> -> memref<40x125xi32, #tpu.memory_space<hbm>>
        %dma_start3A_45 = arith.constant 0 : i32
        %dma_start3A_46 = tpu.memref_slice %arg3[%add3A_20, %dma_start3A_45] : memref<2560x125xi32, #tpu.memory_space<hbm>> -> memref<40x125xi32, #tpu.memory_space<hbm>>
        tpu.enqueue_dma source(%dma_start3A_46 : memref<40x125xi32, #tpu.memory_space<hbm>>) target(%arg8 : memref<40x125xi32, #tpu.memory_space<vmem>>) target_semaphore(%run_scoped3A : memref<!tpu.dma_semaphore, #tpu.memory_space<semaphore_mem>>)
        %dma_wait3A = arith.constant 0 : i32
        %dma_wait3A_47 = tpu.memref_slice %arg3[%add3A_20, %dma_wait3A] : memref<2560x125xi32, #tpu.memory_space<hbm>> -> memref<40x125xi32, #tpu.memory_space<hbm>>
        %dma_wait3A_48 = arith.constant 0 : i32
        %dma_wait3A_49 = tpu.memref_slice %arg3[%add3A_20, %dma_wait3A_48] : memref<2560x125xi32, #tpu.memory_space<hbm>> -> memref<40x125xi32, #tpu.memory_space<hbm>>
        tpu.wait_dma2 semaphore(%run_scoped3A : memref<!tpu.dma_semaphore, #tpu.memory_space<semaphore_mem>>) src(%dma_wait3A_49 : memref<40x125xi32, #tpu.memory_space<hbm>>) dst(%arg8 : memref<40x125xi32, #tpu.memory_space<vmem>>)
        tpu.yield
      }) : () -> ()
      %dma_start3A = arith.constant 0 : i32
      %dma_start3A_21 = arith.constant 0 : i32
      %dma_start3A_22 = arith.constant 0 : i32
      %dma_start3A_23 = arith.constant 0 : i32
      %dma_start3A_24 = arith.constant 0 : i32
      %dma_start3A_25 = tpu.memref_slice %arg9[%dma_start3A_21, %dma_start3A_23, %dma_start3A_24] : memref<2x125x128xf32, #tpu.memory_space<vmem>> -> memref<1x125x128xf32, #tpu.memory_space<vmem>>
      %dma_start3A_26 = tpu.memref_squeeze %dma_start3A_25 : memref<1x125x128xf32, #tpu.memory_space<vmem>> -> memref<125x128xf32, #tpu.memory_space<vmem>>
      %dma_start3A_27 = arith.constant 0 : i32
      %dma_start3A_28 = tpu.memref_slice %arg7[%dma_start3A, %dma_start3A_27] : memref<40x125xi32, #tpu.memory_space<vmem>> -> memref<1x125xi32, #tpu.memory_space<vmem>>
      %dma_start3A_29 = tpu.memref_squeeze %dma_start3A_28 : memref<1x125xi32, #tpu.memory_space<vmem>> -> memref<125xi32, #tpu.memory_space<vmem>>
      %dma_start3A_30 = arith.constant 0 : i32
      %dma_start3A_31 = arith.constant 0 : i32
      %dma_start3A_32 = tpu.memref_slice %arg4[%dma_start3A_30, %dma_start3A_31] : memref<10000x128xf32, #tpu.memory_space<hbm>> -> memref<10000x128xf32, #tpu.memory_space<hbm>>
      %dma_start3A_33 = tpu.memref_slice %arg11[%dma_start3A_22] : memref<2x!tpu.dma_semaphore, #tpu.memory_space<semaphore_mem>> -> memref<1x!tpu.dma_semaphore, #tpu.memory_space<semaphore_mem>>
      %dma_start3A_34 = tpu.memref_squeeze %dma_start3A_33 : memref<1x!tpu.dma_semaphore, #tpu.memory_space<semaphore_mem>> -> memref<!tpu.dma_semaphore, #tpu.memory_space<semaphore_mem>>
      tpu.enqueue_indirect_dma source(%dma_start3A_32 : memref<10000x128xf32, #tpu.memory_space<hbm>>) target(%dma_start3A_26 : memref<125x128xf32, #tpu.memory_space<vmem>>) offsets(%dma_start3A_29 : memref<125xi32, #tpu.memory_space<vmem>>) semaphore(%dma_start3A_34 : memref<!tpu.dma_semaphore, #tpu.memory_space<semaphore_mem>>)
      %scan3A_35 = arith.constant 0 : i32
      %scan3A_36 = arith.constant 0 : i32
      %scan3A_37 = arith.constant 20 : i32
      %scan3A_38 = arith.addi %scan3A_36, %scan3A_37 : i32
      %scan3A_39 = arith.constant 1 : i32
      %scan3A_40 = scf.for %scan3A_43 = %scan3A_36 to %scan3A_38 step %scan3A_39 iter_args(%scan3A_44 = %scan3A_35) -> (i32)  : i32 {
        %mul3A_45 = arith.constant 2 : i32
        %mul3A_46 = arith.muli %scan3A_43, %mul3A_45 : i32
        %add3A_47 = arith.constant 0 : i32
        %add3A_48 = arith.addi %mul3A_46, %add3A_47 : i32
        %add3A_49 = arith.constant 2 : i32
        %add3A_50 = arith.addi %add3A_48, %add3A_49 : i32
        %sub3A = arith.constant 1 : i32
        %sub3A_51 = arith.subi %add3A_50, %sub3A : i32
        %lt3A = arith.constant 40 : i32
        %lt3A_52 = arith.cmpi slt, %sub3A_51, %lt3A : i32
        %convert_element_type3A = arith.extui %lt3A_52 : i1 to i32
        %cond3A = arith.constant 0 : i32
        %cond3A_53 = arith.cmpi ne, %convert_element_type3A, %cond3A : i32
        scf.if %cond3A_53 {
          %add3A_94 = arith.constant 2 : i32
          %add3A_95 = arith.addi %add3A_48, %add3A_94 : i32
          %sub3A_96 = arith.constant 1 : i32
          %sub3A_97 = arith.subi %add3A_95, %sub3A_96 : i32
          %dma_start3A_98 = arith.constant 1 : i32
          %dma_start3A_99 = arith.constant 1 : i32
          %dma_start3A_100 = arith.constant 0 : i32
          %dma_start3A_101 = arith.constant 0 : i32
          %dma_start3A_102 = tpu.memref_slice %arg9[%dma_start3A_98, %dma_start3A_100, %dma_start3A_101] : memref<2x125x128xf32, #tpu.memory_space<vmem>> -> memref<1x125x128xf32, #tpu.memory_space<vmem>>
          %dma_start3A_103 = tpu.memref_squeeze %dma_start3A_102 : memref<1x125x128xf32, #tpu.memory_space<vmem>> -> memref<125x128xf32, #tpu.memory_space<vmem>>
          %dma_start3A_104 = arith.constant 0 : i32
          %dma_start3A_105 = tpu.memref_slice %arg7[%sub3A_97, %dma_start3A_104] : memref<40x125xi32, #tpu.memory_space<vmem>> -> memref<1x125xi32, #tpu.memory_space<vmem>>
          %dma_start3A_106 = tpu.memref_squeeze %dma_start3A_105 : memref<1x125xi32, #tpu.memory_space<vmem>> -> memref<125xi32, #tpu.memory_space<vmem>>
          %dma_start3A_107 = arith.constant 0 : i32
          %dma_start3A_108 = arith.constant 0 : i32
          %dma_start3A_109 = tpu.memref_slice %arg4[%dma_start3A_107, %dma_start3A_108] : memref<10000x128xf32, #tpu.memory_space<hbm>> -> memref<10000x128xf32, #tpu.memory_space<hbm>>
          %dma_start3A_110 = tpu.memref_slice %arg11[%dma_start3A_99] : memref<2x!tpu.dma_semaphore, #tpu.memory_space<semaphore_mem>> -> memref<1x!tpu.dma_semaphore, #tpu.memory_space<semaphore_mem>>
          %dma_start3A_111 = tpu.memref_squeeze %dma_start3A_110 : memref<1x!tpu.dma_semaphore, #tpu.memory_space<semaphore_mem>> -> memref<!tpu.dma_semaphore, #tpu.memory_space<semaphore_mem>>
          tpu.enqueue_indirect_dma source(%dma_start3A_109 : memref<10000x128xf32, #tpu.memory_space<hbm>>) target(%dma_start3A_103 : memref<125x128xf32, #tpu.memory_space<vmem>>) offsets(%dma_start3A_106 : memref<125xi32, #tpu.memory_space<vmem>>) semaphore(%dma_start3A_111 : memref<!tpu.dma_semaphore, #tpu.memory_space<semaphore_mem>>)
        } else {
        }
        %dma_wait3A = arith.constant 0 : i32
        %dma_wait3A_54 = arith.constant 0 : i32
        %dma_wait3A_55 = arith.constant 0 : i32
        %dma_wait3A_56 = arith.constant 0 : i32
        %dma_wait3A_57 = tpu.memref_slice %arg9[%dma_wait3A, %dma_wait3A_55, %dma_wait3A_56] : memref<2x125x128xf32, #tpu.memory_space<vmem>> -> memref<1x125x128xf32, #tpu.memory_space<vmem>>
        %dma_wait3A_58 = tpu.memref_squeeze %dma_wait3A_57 : memref<1x125x128xf32, #tpu.memory_space<vmem>> -> memref<125x128xf32, #tpu.memory_space<vmem>>
        %dma_wait3A_59 = arith.constant 0 : i32
        %dma_wait3A_60 = tpu.memref_slice %arg7[%add3A_48, %dma_wait3A_59] : memref<40x125xi32, #tpu.memory_space<vmem>> -> memref<1x125xi32, #tpu.memory_space<vmem>>
        %dma_wait3A_61 = tpu.memref_squeeze %dma_wait3A_60 : memref<1x125xi32, #tpu.memory_space<vmem>> -> memref<125xi32, #tpu.memory_space<vmem>>
        %dma_wait3A_62 = arith.constant 0 : i32
        %dma_wait3A_63 = arith.constant 0 : i32
        %dma_wait3A_64 = tpu.memref_slice %arg4[%dma_wait3A_62, %dma_wait3A_63] : memref<10000x128xf32, #tpu.memory_space<hbm>> -> memref<10000x128xf32, #tpu.memory_space<hbm>>
        %dma_wait3A_65 = tpu.memref_slice %arg11[%dma_wait3A_54] : memref<2x!tpu.dma_semaphore, #tpu.memory_space<semaphore_mem>> -> memref<1x!tpu.dma_semaphore, #tpu.memory_space<semaphore_mem>>
        %dma_wait3A_66 = tpu.memref_squeeze %dma_wait3A_65 : memref<1x!tpu.dma_semaphore, #tpu.memory_space<semaphore_mem>> -> memref<!tpu.dma_semaphore, #tpu.memory_space<semaphore_mem>>
        tpu.wait_indirect_dma semaphore(%dma_wait3A_66 : memref<!tpu.dma_semaphore, #tpu.memory_space<semaphore_mem>>) src(%dma_wait3A_64 : memref<10000x128xf32, #tpu.memory_space<hbm>>) dst(%dma_wait3A_58 : memref<125x128xf32, #tpu.memory_space<vmem>>)
        %run_scoped3A = arith.constant 0 : i32
        "tpu.region"() ({
          %run_scoped3A_94 = tpu.sem_alloc : memref<!tpu.dma_semaphore, #tpu.memory_space<semaphore_mem>>
          %dma_start3A_95 = arith.constant 0 : i32
          %dma_start3A_96 = arith.constant 0 : i32
          %dma_start3A_97 = tpu.memref_slice %arg9[%run_scoped3A, %dma_start3A_95, %dma_start3A_96] : memref<2x125x128xf32, #tpu.memory_space<vmem>> -> memref<1x125x128xf32, #tpu.memory_space<vmem>>
          %dma_start3A_98 = tpu.memref_squeeze %dma_start3A_97 : memref<1x125x128xf32, #tpu.memory_space<vmem>> -> memref<125x128xf32, #tpu.memory_space<vmem>>
          %dma_start3A_99 = arith.constant 0 : i32
          %dma_start3A_100 = tpu.memref_slice %arg8[%add3A_48, %dma_start3A_99] : memref<40x125xi32, #tpu.memory_space<vmem>> -> memref<1x125xi32, #tpu.memory_space<vmem>>
          %dma_start3A_101 = tpu.memref_squeeze %dma_start3A_100 : memref<1x125xi32, #tpu.memory_space<vmem>> -> memref<125xi32, #tpu.memory_space<vmem>>
          %dma_start3A_102 = arith.constant 0 : i32
          %dma_start3A_103 = arith.constant 0 : i32
          %dma_start3A_104 = tpu.memref_slice %arg10[%dma_start3A_102, %dma_start3A_103] : memref<10112x128xf32, #tpu.memory_space<vmem_shared>> -> memref<10112x128xf32, #tpu.memory_space<vmem_shared>>
          tpu.enqueue_indirect_dma source(%dma_start3A_98 : memref<125x128xf32, #tpu.memory_space<vmem>>) target(%dma_start3A_104 : memref<10112x128xf32, #tpu.memory_space<vmem_shared>>) offsets(%dma_start3A_101 : memref<125xi32, #tpu.memory_space<vmem>>) semaphore(%run_scoped3A_94 : memref<!tpu.dma_semaphore, #tpu.memory_space<semaphore_mem>>) {add = true}
          %dma_wait3A_105 = arith.constant 0 : i32
          %dma_wait3A_106 = arith.constant 0 : i32
          %dma_wait3A_107 = tpu.memref_slice %arg9[%run_scoped3A, %dma_wait3A_105, %dma_wait3A_106] : memref<2x125x128xf32, #tpu.memory_space<vmem>> -> memref<1x125x128xf32, #tpu.memory_space<vmem>>
          %dma_wait3A_108 = tpu.memref_squeeze %dma_wait3A_107 : memref<1x125x128xf32, #tpu.memory_space<vmem>> -> memref<125x128xf32, #tpu.memory_space<vmem>>
          %dma_wait3A_109 = arith.constant 0 : i32
          %dma_wait3A_110 = tpu.memref_slice %arg8[%add3A_48, %dma_wait3A_109] : memref<40x125xi32, #tpu.memory_space<vmem>> -> memref<1x125xi32, #tpu.memory_space<vmem>>
          %dma_wait3A_111 = tpu.memref_squeeze %dma_wait3A_110 : memref<1x125xi32, #tpu.memory_space<vmem>> -> memref<125xi32, #tpu.memory_space<vmem>>
          %dma_wait3A_112 = arith.constant 0 : i32
          %dma_wait3A_113 = arith.constant 0 : i32
          %dma_wait3A_114 = tpu.memref_slice %arg10[%dma_wait3A_112, %dma_wait3A_113] : memref<10112x128xf32, #tpu.memory_space<vmem_shared>> -> memref<10112x128xf32, #tpu.memory_space<vmem_shared>>
          tpu.wait_indirect_dma semaphore(%run_scoped3A_94 : memref<!tpu.dma_semaphore, #tpu.memory_space<semaphore_mem>>) src(%dma_wait3A_108 : memref<125x128xf32, #tpu.memory_space<vmem>>) dst(%dma_wait3A_114 : memref<10112x128xf32, #tpu.memory_space<vmem_shared>>)
          tpu.yield
        }) : () -> ()
        %add3A_67 = arith.constant 1 : i32
        %add3A_68 = arith.addi %mul3A_46, %add3A_67 : i32
        %add3A_69 = arith.constant 2 : i32
        %add3A_70 = arith.addi %add3A_68, %add3A_69 : i32
        %sub3A_71 = arith.constant 1 : i32
        %sub3A_72 = arith.subi %add3A_70, %sub3A_71 : i32
        %lt3A_73 = arith.constant 40 : i32
        %lt3A_74 = arith.cmpi slt, %sub3A_72, %lt3A_73 : i32
        %convert_element_type3A_75 = arith.extui %lt3A_74 : i1 to i32
        %cond3A_76 = arith.constant 0 : i32
        %cond3A_77 = arith.cmpi ne, %convert_element_type3A_75, %cond3A_76 : i32
        scf.if %cond3A_77 {
          %add3A_94 = arith.constant 2 : i32
          %add3A_95 = arith.addi %add3A_68, %add3A_94 : i32
          %sub3A_96 = arith.constant 1 : i32
          %sub3A_97 = arith.subi %add3A_95, %sub3A_96 : i32
          %dma_start3A_98 = arith.constant 0 : i32
          %dma_start3A_99 = arith.constant 0 : i32
          %dma_start3A_100 = arith.constant 0 : i32
          %dma_start3A_101 = arith.constant 0 : i32
          %dma_start3A_102 = tpu.memref_slice %arg9[%dma_start3A_98, %dma_start3A_100, %dma_start3A_101] : memref<2x125x128xf32, #tpu.memory_space<vmem>> -> memref<1x125x128xf32, #tpu.memory_space<vmem>>
          %dma_start3A_103 = tpu.memref_squeeze %dma_start3A_102 : memref<1x125x128xf32, #tpu.memory_space<vmem>> -> memref<125x128xf32, #tpu.memory_space<vmem>>
          %dma_start3A_104 = arith.constant 0 : i32
          %dma_start3A_105 = tpu.memref_slice %arg7[%sub3A_97, %dma_start3A_104] : memref<40x125xi32, #tpu.memory_space<vmem>> -> memref<1x125xi32, #tpu.memory_space<vmem>>
          %dma_start3A_106 = tpu.memref_squeeze %dma_start3A_105 : memref<1x125xi32, #tpu.memory_space<vmem>> -> memref<125xi32, #tpu.memory_space<vmem>>
          %dma_start3A_107 = arith.constant 0 : i32
          %dma_start3A_108 = arith.constant 0 : i32
          %dma_start3A_109 = tpu.memref_slice %arg4[%dma_start3A_107, %dma_start3A_108] : memref<10000x128xf32, #tpu.memory_space<hbm>> -> memref<10000x128xf32, #tpu.memory_space<hbm>>
          %dma_start3A_110 = tpu.memref_slice %arg11[%dma_start3A_99] : memref<2x!tpu.dma_semaphore, #tpu.memory_space<semaphore_mem>> -> memref<1x!tpu.dma_semaphore, #tpu.memory_space<semaphore_mem>>
          %dma_start3A_111 = tpu.memref_squeeze %dma_start3A_110 : memref<1x!tpu.dma_semaphore, #tpu.memory_space<semaphore_mem>> -> memref<!tpu.dma_semaphore, #tpu.memory_space<semaphore_mem>>
          tpu.enqueue_indirect_dma source(%dma_start3A_109 : memref<10000x128xf32, #tpu.memory_space<hbm>>) target(%dma_start3A_103 : memref<125x128xf32, #tpu.memory_space<vmem>>) offsets(%dma_start3A_106 : memref<125xi32, #tpu.memory_space<vmem>>) semaphore(%dma_start3A_111 : memref<!tpu.dma_semaphore, #tpu.memory_space<semaphore_mem>>)
        } else {
        }
        %dma_wait3A_78 = arith.constant 1 : i32
        %dma_wait3A_79 = arith.constant 1 : i32
        %dma_wait3A_80 = arith.constant 0 : i32
        %dma_wait3A_81 = arith.constant 0 : i32
        %dma_wait3A_82 = tpu.memref_slice %arg9[%dma_wait3A_78, %dma_wait3A_80, %dma_wait3A_81] : memref<2x125x128xf32, #tpu.memory_space<vmem>> -> memref<1x125x128xf32, #tpu.memory_space<vmem>>
        %dma_wait3A_83 = tpu.memref_squeeze %dma_wait3A_82 : memref<1x125x128xf32, #tpu.memory_space<vmem>> -> memref<125x128xf32, #tpu.memory_space<vmem>>
        %dma_wait3A_84 = arith.constant 0 : i32
        %dma_wait3A_85 = tpu.memref_slice %arg7[%add3A_68, %dma_wait3A_84] : memref<40x125xi32, #tpu.memory_space<vmem>> -> memref<1x125xi32, #tpu.memory_space<vmem>>
        %dma_wait3A_86 = tpu.memref_squeeze %dma_wait3A_85 : memref<1x125xi32, #tpu.memory_space<vmem>> -> memref<125xi32, #tpu.memory_space<vmem>>
        %dma_wait3A_87 = arith.constant 0 : i32
        %dma_wait3A_88 = arith.constant 0 : i32
        %dma_wait3A_89 = tpu.memref_slice %arg4[%dma_wait3A_87, %dma_wait3A_88] : memref<10000x128xf32, #tpu.memory_space<hbm>> -> memref<10000x128xf32, #tpu.memory_space<hbm>>
        %dma_wait3A_90 = tpu.memref_slice %arg11[%dma_wait3A_79] : memref<2x!tpu.dma_semaphore, #tpu.memory_space<semaphore_mem>> -> memref<1x!tpu.dma_semaphore, #tpu.memory_space<semaphore_mem>>
        %dma_wait3A_91 = tpu.memref_squeeze %dma_wait3A_90 : memref<1x!tpu.dma_semaphore, #tpu.memory_space<semaphore_mem>> -> memref<!tpu.dma_semaphore, #tpu.memory_space<semaphore_mem>>
        tpu.wait_indirect_dma semaphore(%dma_wait3A_91 : memref<!tpu.dma_semaphore, #tpu.memory_space<semaphore_mem>>) src(%dma_wait3A_89 : memref<10000x128xf32, #tpu.memory_space<hbm>>) dst(%dma_wait3A_83 : memref<125x128xf32, #tpu.memory_space<vmem>>)
        %run_scoped3A_92 = arith.constant 1 : i32
        "tpu.region"() ({
          %run_scoped3A_94 = tpu.sem_alloc : memref<!tpu.dma_semaphore, #tpu.memory_space<semaphore_mem>>
          %dma_start3A_95 = arith.constant 0 : i32
          %dma_start3A_96 = arith.constant 0 : i32
          %dma_start3A_97 = tpu.memref_slice %arg9[%run_scoped3A_92, %dma_start3A_95, %dma_start3A_96] : memref<2x125x128xf32, #tpu.memory_space<vmem>> -> memref<1x125x128xf32, #tpu.memory_space<vmem>>
          %dma_start3A_98 = tpu.memref_squeeze %dma_start3A_97 : memref<1x125x128xf32, #tpu.memory_space<vmem>> -> memref<125x128xf32, #tpu.memory_space<vmem>>
          %dma_start3A_99 = arith.constant 0 : i32
          %dma_start3A_100 = tpu.memref_slice %arg8[%add3A_68, %dma_start3A_99] : memref<40x125xi32, #tpu.memory_space<vmem>> -> memref<1x125xi32, #tpu.memory_space<vmem>>
          %dma_start3A_101 = tpu.memref_squeeze %dma_start3A_100 : memref<1x125xi32, #tpu.memory_space<vmem>> -> memref<125xi32, #tpu.memory_space<vmem>>
          %dma_start3A_102 = arith.constant 0 : i32
          %dma_start3A_103 = arith.constant 0 : i32
          %dma_start3A_104 = tpu.memref_slice %arg10[%dma_start3A_102, %dma_start3A_103] : memref<10112x128xf32, #tpu.memory_space<vmem_shared>> -> memref<10112x128xf32, #tpu.memory_space<vmem_shared>>
          tpu.enqueue_indirect_dma source(%dma_start3A_98 : memref<125x128xf32, #tpu.memory_space<vmem>>) target(%dma_start3A_104 : memref<10112x128xf32, #tpu.memory_space<vmem_shared>>) offsets(%dma_start3A_101 : memref<125xi32, #tpu.memory_space<vmem>>) semaphore(%run_scoped3A_94 : memref<!tpu.dma_semaphore, #tpu.memory_space<semaphore_mem>>) {add = true}
          %dma_wait3A_105 = arith.constant 0 : i32
          %dma_wait3A_106 = arith.constant 0 : i32
          %dma_wait3A_107 = tpu.memref_slice %arg9[%run_scoped3A_92, %dma_wait3A_105, %dma_wait3A_106] : memref<2x125x128xf32, #tpu.memory_space<vmem>> -> memref<1x125x128xf32, #tpu.memory_space<vmem>>
          %dma_wait3A_108 = tpu.memref_squeeze %dma_wait3A_107 : memref<1x125x128xf32, #tpu.memory_space<vmem>> -> memref<125x128xf32, #tpu.memory_space<vmem>>
          %dma_wait3A_109 = arith.constant 0 : i32
          %dma_wait3A_110 = tpu.memref_slice %arg8[%add3A_68, %dma_wait3A_109] : memref<40x125xi32, #tpu.memory_space<vmem>> -> memref<1x125xi32, #tpu.memory_space<vmem>>
          %dma_wait3A_111 = tpu.memref_squeeze %dma_wait3A_110 : memref<1x125xi32, #tpu.memory_space<vmem>> -> memref<125xi32, #tpu.memory_space<vmem>>
          %dma_wait3A_112 = arith.constant 0 : i32
          %dma_wait3A_113 = arith.constant 0 : i32
          %dma_wait3A_114 = tpu.memref_slice %arg10[%dma_wait3A_112, %dma_wait3A_113] : memref<10112x128xf32, #tpu.memory_space<vmem_shared>> -> memref<10112x128xf32, #tpu.memory_space<vmem_shared>>
          tpu.wait_indirect_dma semaphore(%run_scoped3A_94 : memref<!tpu.dma_semaphore, #tpu.memory_space<semaphore_mem>>) src(%dma_wait3A_108 : memref<125x128xf32, #tpu.memory_space<vmem>>) dst(%dma_wait3A_114 : memref<10112x128xf32, #tpu.memory_space<vmem_shared>>)
          tpu.yield
        }) : () -> ()
        %scan3A_93 = arith.constant 0 : i32
        scf.yield %scan3A_93 : i32
      }
      %scan3A_41 = arith.constant 20 : i32
      %scan3A_42 = arith.constant 0 : i32
      scf.yield %scan3A_42 : i32
    }
    %scan3A_10 = arith.constant 2 : i32
    %barrier3A_11 = arith.constant 0 : index
    tpu.barrier barrier_id(%barrier3A_11)
    %mul3A_12 = arith.constant 632 : i32
    %mul3A_13 = arith.muli %arg1, %mul3A_12 : i32
    %mul3A_14 = arith.constant 632 : i32
    %mul3A_15 = arith.muli %arg1, %mul3A_14 : i32
    "tpu.region"() ({
      %run_scoped3A = tpu.sem_alloc : memref<!tpu.dma_semaphore, #tpu.memory_space<semaphore_mem>>
      %dma_start3A = arith.constant 0 : i32
      %dma_start3A_16 = tpu.memref_slice %arg6[%arg0, %mul3A_15, %dma_start3A] : memref<2x10112x128xf32, #tpu.memory_space<hbm>> -> memref<1x632x128xf32, #tpu.memory_space<hbm>>
      %dma_start3A_17 = tpu.memref_squeeze %dma_start3A_16 : memref<1x632x128xf32, #tpu.memory_space<hbm>> -> memref<632x128xf32, #tpu.memory_space<hbm>>
      %dma_start3A_18 = arith.constant 0 : i32
      %dma_start3A_19 = tpu.memref_slice %arg10[%mul3A_13, %dma_start3A_18] : memref<10112x128xf32, #tpu.memory_space<vmem_shared>> -> memref<632x128xf32, #tpu.memory_space<vmem_shared>>
      tpu.enqueue_dma source(%dma_start3A_19 : memref<632x128xf32, #tpu.memory_space<vmem_shared>>) target(%dma_start3A_17 : memref<632x128xf32, #tpu.memory_space<hbm>>) target_semaphore(%run_scoped3A : memref<!tpu.dma_semaphore, #tpu.memory_space<semaphore_mem>>)
      %dma_wait3A = arith.constant 0 : i32
      %dma_wait3A_20 = tpu.memref_slice %arg6[%arg0, %mul3A_15, %dma_wait3A] : memref<2x10112x128xf32, #tpu.memory_space<hbm>> -> memref<1x632x128xf32, #tpu.memory_space<hbm>>
      %dma_wait3A_21 = tpu.memref_squeeze %dma_wait3A_20 : memref<1x632x128xf32, #tpu.memory_space<hbm>> -> memref<632x128xf32, #tpu.memory_space<hbm>>
      %dma_wait3A_22 = arith.constant 0 : i32
      %dma_wait3A_23 = tpu.memref_slice %arg10[%mul3A_13, %dma_wait3A_22] : memref<10112x128xf32, #tpu.memory_space<vmem_shared>> -> memref<632x128xf32, #tpu.memory_space<vmem_shared>>
      tpu.wait_dma2 semaphore(%run_scoped3A : memref<!tpu.dma_semaphore, #tpu.memory_space<semaphore_mem>>) src(%dma_wait3A_23 : memref<632x128xf32, #tpu.memory_space<vmem_shared>>) dst(%dma_wait3A_21 : memref<632x128xf32, #tpu.memory_space<hbm>>)
      tpu.yield
    }) : () -> ()
    return
  }
}

#map = affine_map<(d0, d1) -> (0)>
#map1 = affine_map<(d0, d1) -> (0, 0)>
#map2 = affine_map<(d0, d1) -> (0, 0, 0)>
module attributes {stable_mosaic.version = 14 : i64} {
  func.func @_deg_body(%arg0: i32, %arg1: i32, %arg2: memref<320000xi32, #tpu.memory_space<hbm>>, %arg3: memref<80x128xf32, #tpu.memory_space<hbm>>, %arg4: memref<2x80x128xf32, #tpu.memory_space<hbm>>, %arg5: memref<2000xi32, #tpu.memory_space<vmem>>, %arg6: memref<80x128xf32, #tpu.memory_space<vmem>>, %arg7: memref<8x128xf32, #tpu.memory_space<vmem>>, %arg8: memref<8x128xf32, #tpu.memory_space<vmem>>, %arg9: memref<16x80x128xf32, #tpu.memory_space<vmem_shared>>) attributes {dimension_semantics = [#tpu.dimension_semantics<core_parallel>, #tpu.dimension_semantics<subcore_parallel>], iteration_bounds = array<i64: 2, 16>, scalar_prefetch = 0 : i64, scratch_operands = 5 : i64, tpu.core_type = #tpu.core_type<sc_vector_subcore>, window_params = [{transform_indices = #map}, {transform_indices = #map1}, {transform_indices = #map2}]} {
    %mul3A = arith.constant 2 : i32
    %mul3A_0 = arith.muli %arg1, %mul3A : i32
    %add3A = arith.addi %mul3A_0, %arg0 : i32
    %mul3A_1 = arith.constant 10000 : i32
    %mul3A_2 = arith.muli %add3A, %mul3A_1 : i32
    "tpu.region"() ({
      %run_scoped3A = tpu.sem_alloc : memref<!tpu.dma_semaphore, #tpu.memory_space<semaphore_mem>>
      tpu.enqueue_dma source(%arg3 : memref<80x128xf32, #tpu.memory_space<hbm>>) target(%arg6 : memref<80x128xf32, #tpu.memory_space<vmem>>) target_semaphore(%run_scoped3A : memref<!tpu.dma_semaphore, #tpu.memory_space<semaphore_mem>>)
      tpu.wait_dma2 semaphore(%run_scoped3A : memref<!tpu.dma_semaphore, #tpu.memory_space<semaphore_mem>>) src(%arg3 : memref<80x128xf32, #tpu.memory_space<hbm>>) dst(%arg6 : memref<80x128xf32, #tpu.memory_space<vmem>>)
      tpu.yield
    }) : () -> ()
    %broadcast_in_dim3A = arith.constant 1.000000e+00 : f32
    %broadcast_in_dim3A_3 = vector.broadcast %broadcast_in_dim3A : f32 to vector<16xf32>
    %scan3A = arith.constant 0 : i32
    %scan3A_4 = arith.constant 0 : i32
    %scan3A_5 = arith.constant 5 : i32
    %scan3A_6 = arith.addi %scan3A_4, %scan3A_5 : i32
    %scan3A_7 = arith.constant 1 : i32
    %scan3A_8 = scf.for %scan3A_12 = %scan3A_4 to %scan3A_6 step %scan3A_7 iter_args(%scan3A_13 = %scan3A) -> (i32)  : i32 {
      %mul3A_14 = arith.constant 2000 : i32
      %mul3A_15 = arith.muli %scan3A_12, %mul3A_14 : i32
      %add3A_16 = arith.addi %mul3A_2, %mul3A_15 : i32
      "tpu.region"() ({
        %run_scoped3A = tpu.sem_alloc : memref<!tpu.dma_semaphore, #tpu.memory_space<semaphore_mem>>
        %dma_start3A = tpu.memref_slice %arg2[%add3A_16] : memref<320000xi32, #tpu.memory_space<hbm>> -> memref<2000xi32, #tpu.memory_space<hbm>>
        %dma_start3A_25 = tpu.memref_slice %arg2[%add3A_16] : memref<320000xi32, #tpu.memory_space<hbm>> -> memref<2000xi32, #tpu.memory_space<hbm>>
        tpu.enqueue_dma source(%dma_start3A_25 : memref<2000xi32, #tpu.memory_space<hbm>>) target(%arg5 : memref<2000xi32, #tpu.memory_space<vmem>>) target_semaphore(%run_scoped3A : memref<!tpu.dma_semaphore, #tpu.memory_space<semaphore_mem>>)
        %dma_wait3A = tpu.memref_slice %arg2[%add3A_16] : memref<320000xi32, #tpu.memory_space<hbm>> -> memref<2000xi32, #tpu.memory_space<hbm>>
        %dma_wait3A_26 = tpu.memref_slice %arg2[%add3A_16] : memref<320000xi32, #tpu.memory_space<hbm>> -> memref<2000xi32, #tpu.memory_space<hbm>>
        tpu.wait_dma2 semaphore(%run_scoped3A : memref<!tpu.dma_semaphore, #tpu.memory_space<semaphore_mem>>) src(%dma_wait3A_26 : memref<2000xi32, #tpu.memory_space<hbm>>) dst(%arg5 : memref<2000xi32, #tpu.memory_space<vmem>>)
        tpu.yield
      }) : () -> ()
      %scan3A_17 = arith.constant 0 : i32
      %scan3A_18 = arith.constant 0 : i32
      %scan3A_19 = arith.constant 125 : i32
      %scan3A_20 = arith.addi %scan3A_18, %scan3A_19 : i32
      %scan3A_21 = arith.constant 1 : i32
      %scan3A_22 = scf.for %scan3A_25 = %scan3A_18 to %scan3A_20 step %scan3A_21 iter_args(%scan3A_26 = %scan3A_17) -> (i32)  : i32 {
        %mul3A_27 = arith.constant 16 : i32
        %mul3A_28 = arith.muli %scan3A_25, %mul3A_27 : i32
        %get3A = arith.index_cast %mul3A_28 : i32 to index
        %get3A_29 = tpu.vector_load %arg5[%get3A] {strides = array<i32>} : memref<2000xi32, #tpu.memory_space<vmem>>, vector<16xi32>,
        %shift_right_logical3A = arith.constant 7 : i32
        %shift_right_logical3A_30 = vector.broadcast %shift_right_logical3A : i32 to vector<16xi32>
        %shift_right_logical3A_31 = arith.shrui %get3A_29, %shift_right_logical3A_30 : vector<16xi32>
        %and3A = arith.constant 127 : i32
        %and3A_32 = vector.broadcast %and3A : i32 to vector<16xi32>
        %and3A_33 = arith.andi %get3A_29, %and3A_32 : vector<16xi32>
        tpu.vector_store_idx %arg6[%shift_right_logical3A_31, %and3A_33], %broadcast_in_dim3A_3 {add = true} : memref<80x128xf32, #tpu.memory_space<vmem>>[vector<16xi32>, vector<16xi32>], vector<16xf32>,
        %scan3A_34 = arith.constant 0 : i32
        scf.yield %scan3A_34 : i32
      }
      %scan3A_23 = arith.constant 125 : i32
      %scan3A_24 = arith.constant 0 : i32
      scf.yield %scan3A_24 : i32
    }
    %scan3A_9 = arith.constant 5 : i32
    "tpu.region"() ({
      %run_scoped3A = tpu.sem_alloc : memref<!tpu.dma_semaphore, #tpu.memory_space<semaphore_mem>>
      %dma_start3A = arith.constant 0 : i32
      %dma_start3A_12 = arith.constant 0 : i32
      %dma_start3A_13 = tpu.memref_slice %arg9[%arg1, %dma_start3A, %dma_start3A_12] : memref<16x80x128xf32, #tpu.memory_space<vmem_shared>> -> memref<1x80x128xf32, #tpu.memory_space<vmem_shared>>
      %dma_start3A_14 = tpu.memref_squeeze %dma_start3A_13 : memref<1x80x128xf32, #tpu.memory_space<vmem_shared>> -> memref<80x128xf32, #tpu.memory_space<vmem_shared>>
      %dma_start3A_15 = arith.constant 0 : i32
      %dma_start3A_16 = arith.constant 0 : i32
      %dma_start3A_17 = tpu.memref_slice %arg9[%arg1, %dma_start3A_15, %dma_start3A_16] : memref<16x80x128xf32, #tpu.memory_space<vmem_shared>> -> memref<1x80x128xf32, #tpu.memory_space<vmem_shared>>
      %dma_start3A_18 = tpu.memref_squeeze %dma_start3A_17 : memref<1x80x128xf32, #tpu.memory_space<vmem_shared>> -> memref<80x128xf32, #tpu.memory_space<vmem_shared>>
      tpu.enqueue_dma source(%arg6 : memref<80x128xf32, #tpu.memory_space<vmem>>) target(%dma_start3A_18 : memref<80x128xf32, #tpu.memory_space<vmem_shared>>) target_semaphore(%run_scoped3A : memref<!tpu.dma_semaphore, #tpu.memory_space<semaphore_mem>>)
      %dma_wait3A = arith.constant 0 : i32
      %dma_wait3A_19 = arith.constant 0 : i32
      %dma_wait3A_20 = tpu.memref_slice %arg9[%arg1, %dma_wait3A, %dma_wait3A_19] : memref<16x80x128xf32, #tpu.memory_space<vmem_shared>> -> memref<1x80x128xf32, #tpu.memory_space<vmem_shared>>
      %dma_wait3A_21 = tpu.memref_squeeze %dma_wait3A_20 : memref<1x80x128xf32, #tpu.memory_space<vmem_shared>> -> memref<80x128xf32, #tpu.memory_space<vmem_shared>>
      %dma_wait3A_22 = arith.constant 0 : i32
      %dma_wait3A_23 = arith.constant 0 : i32
      %dma_wait3A_24 = tpu.memref_slice %arg9[%arg1, %dma_wait3A_22, %dma_wait3A_23] : memref<16x80x128xf32, #tpu.memory_space<vmem_shared>> -> memref<1x80x128xf32, #tpu.memory_space<vmem_shared>>
      %dma_wait3A_25 = tpu.memref_squeeze %dma_wait3A_24 : memref<1x80x128xf32, #tpu.memory_space<vmem_shared>> -> memref<80x128xf32, #tpu.memory_space<vmem_shared>>
      tpu.wait_dma2 semaphore(%run_scoped3A : memref<!tpu.dma_semaphore, #tpu.memory_space<semaphore_mem>>) src(%arg6 : memref<80x128xf32, #tpu.memory_space<vmem>>) dst(%dma_wait3A_25 : memref<80x128xf32, #tpu.memory_space<vmem_shared>>)
      tpu.yield
    }) : () -> ()
    %barrier3A = arith.constant 0 : index
    tpu.barrier barrier_id(%barrier3A)
    %lt3A = arith.constant 10 : i32
    %lt3A_10 = arith.cmpi slt, %arg1, %lt3A : i32
    %convert_element_type3A = arith.extui %lt3A_10 : i1 to i32
    %cond3A = arith.constant 0 : i32
    %cond3A_11 = arith.cmpi ne, %convert_element_type3A, %cond3A : i32
    scf.if %cond3A_11 {
      %mul3A_12 = arith.constant 8 : i32
      %mul3A_13 = arith.muli %arg1, %mul3A_12 : i32
      %run_scoped3A = arith.constant 0 : i32
      "tpu.region"() ({
        %run_scoped3A_23 = tpu.sem_alloc : memref<!tpu.dma_semaphore, #tpu.memory_space<semaphore_mem>>
        %dma_start3A = arith.constant 0 : i32
        %dma_start3A_24 = tpu.memref_slice %arg9[%run_scoped3A, %mul3A_13, %dma_start3A] : memref<16x80x128xf32, #tpu.memory_space<vmem_shared>> -> memref<1x8x128xf32, #tpu.memory_space<vmem_shared>>
        %dma_start3A_25 = tpu.memref_squeeze %dma_start3A_24 : memref<1x8x128xf32, #tpu.memory_space<vmem_shared>> -> memref<8x128xf32, #tpu.memory_space<vmem_shared>>
        %dma_start3A_26 = arith.constant 0 : i32
        %dma_start3A_27 = tpu.memref_slice %arg9[%run_scoped3A, %mul3A_13, %dma_start3A_26] : memref<16x80x128xf32, #tpu.memory_space<vmem_shared>> -> memref<1x8x128xf32, #tpu.memory_space<vmem_shared>>
        %dma_start3A_28 = tpu.memref_squeeze %dma_start3A_27 : memref<1x8x128xf32, #tpu.memory_space<vmem_shared>> -> memref<8x128xf32, #tpu.memory_space<vmem_shared>>
        tpu.enqueue_dma source(%dma_start3A_28 : memref<8x128xf32, #tpu.memory_space<vmem_shared>>) target(%arg8 : memref<8x128xf32, #tpu.memory_space<vmem>>) target_semaphore(%run_scoped3A_23 : memref<!tpu.dma_semaphore, #tpu.memory_space<semaphore_mem>>)
        %dma_wait3A = arith.constant 0 : i32
        %dma_wait3A_29 = tpu.memref_slice %arg9[%run_scoped3A, %mul3A_13, %dma_wait3A] : memref<16x80x128xf32, #tpu.memory_space<vmem_shared>> -> memref<1x8x128xf32, #tpu.memory_space<vmem_shared>>
        %dma_wait3A_30 = tpu.memref_squeeze %dma_wait3A_29 : memref<1x8x128xf32, #tpu.memory_space<vmem_shared>> -> memref<8x128xf32, #tpu.memory_space<vmem_shared>>
        %dma_wait3A_31 = arith.constant 0 : i32
        %dma_wait3A_32 = tpu.memref_slice %arg9[%run_scoped3A, %mul3A_13, %dma_wait3A_31] : memref<16x80x128xf32, #tpu.memory_space<vmem_shared>> -> memref<1x8x128xf32, #tpu.memory_space<vmem_shared>>
        %dma_wait3A_33 = tpu.memref_squeeze %dma_wait3A_32 : memref<1x8x128xf32, #tpu.memory_space<vmem_shared>> -> memref<8x128xf32, #tpu.memory_space<vmem_shared>>
        tpu.wait_dma2 semaphore(%run_scoped3A_23 : memref<!tpu.dma_semaphore, #tpu.memory_space<semaphore_mem>>) src(%dma_wait3A_33 : memref<8x128xf32, #tpu.memory_space<vmem_shared>>) dst(%arg8 : memref<8x128xf32, #tpu.memory_space<vmem>>)
        tpu.yield
      }) : () -> ()
      %scan3A_14 = arith.constant 0 : i32
      %scan3A_15 = arith.constant 1 : i32
      %scan3A_16 = arith.constant 15 : i32
      %scan3A_17 = arith.addi %scan3A_15, %scan3A_16 : i32
      %scan3A_18 = arith.constant 1 : i32
      %scan3A_19 = scf.for %scan3A_23 = %scan3A_15 to %scan3A_17 step %scan3A_18 iter_args(%scan3A_24 = %scan3A_14) -> (i32)  : i32 {
        %mul3A_25 = arith.constant 8 : i32
        %mul3A_26 = arith.muli %arg1, %mul3A_25 : i32
        "tpu.region"() ({
          %run_scoped3A_35 = tpu.sem_alloc : memref<!tpu.dma_semaphore, #tpu.memory_space<semaphore_mem>>
          %dma_start3A = arith.constant 0 : i32
          %dma_start3A_36 = tpu.memref_slice %arg9[%scan3A_23, %mul3A_26, %dma_start3A] : memref<16x80x128xf32, #tpu.memory_space<vmem_shared>> -> memref<1x8x128xf32, #tpu.memory_space<vmem_shared>>
          %dma_start3A_37 = tpu.memref_squeeze %dma_start3A_36 : memref<1x8x128xf32, #tpu.memory_space<vmem_shared>> -> memref<8x128xf32, #tpu.memory_space<vmem_shared>>
          %dma_start3A_38 = arith.constant 0 : i32
          %dma_start3A_39 = tpu.memref_slice %arg9[%scan3A_23, %mul3A_26, %dma_start3A_38] : memref<16x80x128xf32, #tpu.memory_space<vmem_shared>> -> memref<1x8x128xf32, #tpu.memory_space<vmem_shared>>
          %dma_start3A_40 = tpu.memref_squeeze %dma_start3A_39 : memref<1x8x128xf32, #tpu.memory_space<vmem_shared>> -> memref<8x128xf32, #tpu.memory_space<vmem_shared>>
          tpu.enqueue_dma source(%dma_start3A_40 : memref<8x128xf32, #tpu.memory_space<vmem_shared>>) target(%arg7 : memref<8x128xf32, #tpu.memory_space<vmem>>) target_semaphore(%run_scoped3A_35 : memref<!tpu.dma_semaphore, #tpu.memory_space<semaphore_mem>>)
          %dma_wait3A = arith.constant 0 : i32
          %dma_wait3A_41 = tpu.memref_slice %arg9[%scan3A_23, %mul3A_26, %dma_wait3A] : memref<16x80x128xf32, #tpu.memory_space<vmem_shared>> -> memref<1x8x128xf32, #tpu.memory_space<vmem_shared>>
          %dma_wait3A_42 = tpu.memref_squeeze %dma_wait3A_41 : memref<1x8x128xf32, #tpu.memory_space<vmem_shared>> -> memref<8x128xf32, #tpu.memory_space<vmem_shared>>
          %dma_wait3A_43 = arith.constant 0 : i32
          %dma_wait3A_44 = tpu.memref_slice %arg9[%scan3A_23, %mul3A_26, %dma_wait3A_43] : memref<16x80x128xf32, #tpu.memory_space<vmem_shared>> -> memref<1x8x128xf32, #tpu.memory_space<vmem_shared>>
          %dma_wait3A_45 = tpu.memref_squeeze %dma_wait3A_44 : memref<1x8x128xf32, #tpu.memory_space<vmem_shared>> -> memref<8x128xf32, #tpu.memory_space<vmem_shared>>
          tpu.wait_dma2 semaphore(%run_scoped3A_35 : memref<!tpu.dma_semaphore, #tpu.memory_space<semaphore_mem>>) src(%dma_wait3A_45 : memref<8x128xf32, #tpu.memory_space<vmem_shared>>) dst(%arg7 : memref<8x128xf32, #tpu.memory_space<vmem>>)
          tpu.yield
        }) : () -> ()
        %scan3A_27 = arith.constant 0 : i32
        %scan3A_28 = arith.constant 0 : i32
        %scan3A_29 = arith.constant 8 : i32
        %scan3A_30 = arith.addi %scan3A_28, %scan3A_29 : i32
        %scan3A_31 = arith.constant 1 : i32
        %scan3A_32 = scf.for %scan3A_35 = %scan3A_28 to %scan3A_30 step %scan3A_31 iter_args(%scan3A_36 = %scan3A_27) -> (i32)  : i32 {
          %scan3A_37 = arith.constant 0 : i32
          %scan3A_38 = arith.constant 0 : i32
          %scan3A_39 = arith.constant 8 : i32
          %scan3A_40 = arith.addi %scan3A_38, %scan3A_39 : i32
          %scan3A_41 = arith.constant 1 : i32
          %scan3A_42 = scf.for %scan3A_45 = %scan3A_38 to %scan3A_40 step %scan3A_41 iter_args(%scan3A_46 = %scan3A_37) -> (i32)  : i32 {
            %mul3A_47 = arith.constant 16 : i32
            %mul3A_48 = arith.muli %scan3A_45, %mul3A_47 : i32
            %get3A = arith.index_cast %scan3A_35 : i32 to index
            %get3A_49 = arith.index_cast %mul3A_48 : i32 to index
            %get3A_50 = tpu.vector_load %arg8[%get3A, %get3A_49] {strides = array<i32>} : memref<8x128xf32, #tpu.memory_space<vmem>>, vector<16xf32>,
            %get3A_51 = arith.index_cast %scan3A_35 : i32 to index
            %get3A_52 = arith.index_cast %mul3A_48 : i32 to index
            %get3A_53 = tpu.vector_load %arg7[%get3A_51, %get3A_52] {strides = array<i32>} : memref<8x128xf32, #tpu.memory_space<vmem>>, vector<16xf32>,
            %add3A_54 = arith.addf %get3A_50, %get3A_53 : vector<16xf32>
            %swap3A = arith.index_cast %scan3A_35 : i32 to index
            %swap3A_55 = arith.index_cast %mul3A_48 : i32 to index
            %swap3A_56 = tpu.vector_load %arg8[%swap3A, %swap3A_55] {strides = array<i32>} : memref<8x128xf32, #tpu.memory_space<vmem>>, vector<16xf32>,
            tpu.vector_store %arg8[%swap3A, %swap3A_55], %add3A_54 {strides = array<i32>} : memref<8x128xf32, #tpu.memory_space<vmem>>, vector<16xf32>,
            %scan3A_57 = arith.constant 0 : i32
            scf.yield %scan3A_57 : i32
          }
          %scan3A_43 = arith.constant 8 : i32
          %scan3A_44 = arith.constant 0 : i32
          scf.yield %scan3A_44 : i32
        }
        %scan3A_33 = arith.constant 8 : i32
        %scan3A_34 = arith.constant 0 : i32
        scf.yield %scan3A_34 : i32
      }
      %scan3A_20 = arith.constant 15 : i32
      %mul3A_21 = arith.constant 8 : i32
      %mul3A_22 = arith.muli %arg1, %mul3A_21 : i32
      "tpu.region"() ({
        %run_scoped3A_23 = tpu.sem_alloc : memref<!tpu.dma_semaphore, #tpu.memory_space<semaphore_mem>>
        %dma_start3A = arith.constant 0 : i32
        %dma_start3A_24 = tpu.memref_slice %arg4[%arg0, %mul3A_22, %dma_start3A] : memref<2x80x128xf32, #tpu.memory_space<hbm>> -> memref<1x8x128xf32, #tpu.memory_space<hbm>>
        %dma_start3A_25 = tpu.memref_squeeze %dma_start3A_24 : memref<1x8x128xf32, #tpu.memory_space<hbm>> -> memref<8x128xf32, #tpu.memory_space<hbm>>
        %dma_start3A_26 = arith.constant 0 : i32
        %dma_start3A_27 = tpu.memref_slice %arg4[%arg0, %mul3A_22, %dma_start3A_26] : memref<2x80x128xf32, #tpu.memory_space<hbm>> -> memref<1x8x128xf32, #tpu.memory_space<hbm>>
        %dma_start3A_28 = tpu.memref_squeeze %dma_start3A_27 : memref<1x8x128xf32, #tpu.memory_space<hbm>> -> memref<8x128xf32, #tpu.memory_space<hbm>>
        tpu.enqueue_dma source(%arg8 : memref<8x128xf32, #tpu.memory_space<vmem>>) target(%dma_start3A_28 : memref<8x128xf32, #tpu.memory_space<hbm>>) target_semaphore(%run_scoped3A_23 : memref<!tpu.dma_semaphore, #tpu.memory_space<semaphore_mem>>)
        %dma_wait3A = arith.constant 0 : i32
        %dma_wait3A_29 = tpu.memref_slice %arg4[%arg0, %mul3A_22, %dma_wait3A] : memref<2x80x128xf32, #tpu.memory_space<hbm>> -> memref<1x8x128xf32, #tpu.memory_space<hbm>>
        %dma_wait3A_30 = tpu.memref_squeeze %dma_wait3A_29 : memref<1x8x128xf32, #tpu.memory_space<hbm>> -> memref<8x128xf32, #tpu.memory_space<hbm>>
        %dma_wait3A_31 = arith.constant 0 : i32
        %dma_wait3A_32 = tpu.memref_slice %arg4[%arg0, %mul3A_22, %dma_wait3A_31] : memref<2x80x128xf32, #tpu.memory_space<hbm>> -> memref<1x8x128xf32, #tpu.memory_space<hbm>>
        %dma_wait3A_33 = tpu.memref_squeeze %dma_wait3A_32 : memref<1x8x128xf32, #tpu.memory_space<hbm>> -> memref<8x128xf32, #tpu.memory_space<hbm>>
        tpu.wait_dma2 semaphore(%run_scoped3A_23 : memref<!tpu.dma_semaphore, #tpu.memory_space<semaphore_mem>>) src(%arg8 : memref<8x128xf32, #tpu.memory_space<vmem>>) dst(%dma_wait3A_33 : memref<8x128xf32, #tpu.memory_space<hbm>>)
        tpu.yield
      }) : () -> ()
    } else {
    }
    return
  }
}

module attributes {stable_mosaic.version = 14 : i64} {
  func.func @_tc1_body(%arg0: i32, %arg1: memref<1000x128xf32, #tpu.memory_space<vmem>>, %arg2: memref<1000x2xf32, #tpu.memory_space<vmem>>, %arg3: memref<128x128xf32, #tpu.memory_space<vmem>>, %arg4: memref<1000x128xf32, #tpu.memory_space<vmem>>, %arg5: memref<1000x8xf32, #tpu.memory_space<vmem>>) attributes {dimension_semantics = [#tpu.dimension_semantics<arbitrary>], iteration_bounds = array<i64: 10>, scalar_prefetch = 0 : i64, scratch_operands = 0 : i64, tpu.core_type = #tpu.core_type<tc>, window_params = [{transform_indices = @transform_0, window_bounds = array<i64: 1000, 128>}, {transform_indices = @transform_1, window_bounds = array<i64: 1000, 2>}, {pipeline_mode = #tpu.pipeline_mode<synchronous>, transform_indices = @transform_2, window_bounds = array<i64: 128, 128>}, {transform_indices = @transform_3, window_bounds = array<i64: 1000, 128>}, {transform_indices = @transform_4, window_bounds = array<i64: 1000, 8>}]} {
    %get3A = arith.constant 0 : index
    %get3A_0 = arith.constant 0 : index
    %get3A_1 = vector.load %arg2[%get3A, %get3A_0] : memref<1000x2xf32, #tpu.memory_space<vmem>>, vector<1000x1xf32>
    %get3A_2 = arith.constant 0 : index
    %get3A_3 = arith.constant 1 : index
    %get3A_4 = vector.load %arg2[%get3A_2, %get3A_3] : memref<1000x2xf32, #tpu.memory_space<vmem>>, vector<1000x1xf32>
    %add3A = arith.addf %get3A_1, %get3A_4 : vector<1000x1xf32>
    %add3A_5 = arith.constant 1.000000e+00 : f32
    %add3A_6 = vector.broadcast %add3A_5 : f32 to vector<1000x1xf32>
    %add3A_7 = arith.addf %add3A, %add3A_6 : vector<1000x1xf32>
    %max3A = arith.constant 1.000000e+00 : f32
    %max3A_8 = vector.broadcast %max3A : f32 to vector<1000x1xf32>
    %max3A_9 = arith.maximumf %add3A_7, %max3A_8 : vector<1000x1xf32>
    %rsqrt3A = math.rsqrt %max3A_9 : vector<1000x1xf32>
    %get3A_10 = arith.constant 0 : index
    %get3A_11 = arith.constant 0 : index
    %get3A_12 = vector.load %arg1[%get3A_10, %get3A_11] : memref<1000x128xf32, #tpu.memory_space<vmem>>, vector<1000x128xf32>
    %get3A_13 = arith.constant 0 : index
    %get3A_14 = arith.constant 0 : index
    %get3A_15 = vector.load %arg3[%get3A_13, %get3A_14] : memref<128x128xf32, #tpu.memory_space<vmem>>, vector<128x128xf32>
    %dot_general3A = arith.constant dense<0.000000e+00> : vector<1000x128xf32>
    %dot_general3A_16 = tpu.matmul %get3A_12, %get3A_15, %dot_general3A {dimension_numbers = #tpu.dot_dimension_numbers<[1], [0], [0], [1], [0, 0, 1, 1], [], []>, transpose_lhs_hint = false} : vector<1000x128xf32>, vector<128x128xf32>, vector<1000x128xf32> -> vector<1000x128xf32>
    %mul3A = vector.broadcast %rsqrt3A : vector<1000x1xf32> to vector<1000x128xf32>
    %mul3A_17 = arith.mulf %dot_general3A_16, %mul3A : vector<1000x128xf32>
    %swap3A = arith.constant 0 : index
    %swap3A_18 = arith.constant 0 : index
    %swap3A_19 = vector.load %arg4[%swap3A, %swap3A_18] : memref<1000x128xf32, #tpu.memory_space<vmem>>, vector<1000x128xf32>
    tpu.vector_store %arg4[%swap3A, %swap3A_18], %mul3A_17 {strides = array<i32>} : memref<1000x128xf32, #tpu.memory_space<vmem>>, vector<1000x128xf32>,
    %broadcast_in_dim3A = vector.shape_cast %rsqrt3A : vector<1000x1xf32> to vector<1000x1xf32>
    %broadcast_in_dim3A_20 = vector.broadcast %broadcast_in_dim3A : vector<1000x1xf32> to vector<1000x8xf32>
    %swap3A_21 = arith.constant 0 : index
    %swap3A_22 = arith.constant 0 : index
    %swap3A_23 = vector.load %arg5[%swap3A_21, %swap3A_22] : memref<1000x8xf32, #tpu.memory_space<vmem>>, vector<1000x8xf32>
    tpu.vector_store %arg5[%swap3A_21, %swap3A_22], %broadcast_in_dim3A_20 {strides = array<i32>} : memref<1000x8xf32, #tpu.memory_space<vmem>>, vector<1000x8xf32>,
    return
  }
  func.func @transform_0(%arg0: i32) -> (i32, i32) {
    %c0_i32 = arith.constant 0 : i32
    %c0_i32_0 = arith.constant 0 : i32
    return %arg0, %c0_i32 : i32, i32
  }
  func.func @transform_1(%arg0: i32) -> (i32, i32) {
    %c0_i32 = arith.constant 0 : i32
    %c0_i32_0 = arith.constant 0 : i32
    return %arg0, %c0_i32 : i32, i32
  }
  func.func @transform_2(%arg0: i32) -> (i32, i32) {
    %c0_i32 = arith.constant 0 : i32
    %c0_i32_0 = arith.constant 0 : i32
    %c0_i32_1 = arith.constant 0 : i32
    return %c0_i32, %c0_i32_0 : i32, i32
  }
  func.func @transform_3(%arg0: i32) -> (i32, i32) {
    %c0_i32 = arith.constant 0 : i32
    %c0_i32_0 = arith.constant 0 : i32
    return %arg0, %c0_i32 : i32, i32
  }
  func.func @transform_4(%arg0: i32) -> (i32, i32) {
    %c0_i32 = arith.constant 0 : i32
    %c0_i32_0 = arith.constant 0 : i32
    return %arg0, %c0_i32 : i32, i32
  }
}

module attributes {stable_mosaic.version = 14 : i64} {
  func.func @_tc2_body(%arg0: i32, %arg1: memref<2x1000x128xf32, #tpu.memory_space<vmem>>, %arg2: memref<1000x128xf32, #tpu.memory_space<vmem>>, %arg3: memref<1000x8xf32, #tpu.memory_space<vmem>>, %arg4: memref<1x128xf32, #tpu.memory_space<vmem>>, %arg5: memref<1x128xf32, #tpu.memory_space<vmem>>, %arg6: memref<128x128xf32, #tpu.memory_space<vmem>>, %arg7: memref<1000x128xf32, #tpu.memory_space<vmem>>) attributes {dimension_semantics = [#tpu.dimension_semantics<arbitrary>], iteration_bounds = array<i64: 10>, scalar_prefetch = 0 : i64, scratch_operands = 0 : i64, tpu.core_type = #tpu.core_type<tc>, window_params = [{transform_indices = @transform_0, window_bounds = array<i64: 2, 1000, 128>}, {transform_indices = @transform_1, window_bounds = array<i64: 1000, 128>}, {transform_indices = @transform_2, window_bounds = array<i64: 1000, 8>}, {pipeline_mode = #tpu.pipeline_mode<synchronous>, transform_indices = @transform_3, window_bounds = array<i64: 1, 128>}, {pipeline_mode = #tpu.pipeline_mode<synchronous>, transform_indices = @transform_4, window_bounds = array<i64: 1, 128>}, {pipeline_mode = #tpu.pipeline_mode<synchronous>, transform_indices = @transform_5, window_bounds = array<i64: 128, 128>}, {transform_indices = @transform_6, window_bounds = array<i64: 1000, 128>}]} {
    %get3A = arith.constant 0 : index
    %get3A_0 = arith.constant 0 : index
    %get3A_1 = vector.load %arg3[%get3A, %get3A_0] : memref<1000x8xf32, #tpu.memory_space<vmem>>, vector<1000x1xf32>
    %get3A_2 = arith.constant 0 : index
    %get3A_3 = arith.constant 0 : index
    %get3A_4 = arith.constant 0 : index
    %get3A_5 = vector.load %arg1[%get3A_2, %get3A_3, %get3A_4] : memref<2x1000x128xf32, #tpu.memory_space<vmem>>, vector<1x1000x128xf32>
    %get3A_6 = vector.shape_cast %get3A_5 : vector<1x1000x128xf32> to vector<1000x128xf32>
    %get3A_7 = arith.constant 1 : index
    %get3A_8 = arith.constant 0 : index
    %get3A_9 = arith.constant 0 : index
    %get3A_10 = vector.load %arg1[%get3A_7, %get3A_8, %get3A_9] : memref<2x1000x128xf32, #tpu.memory_space<vmem>>, vector<1x1000x128xf32>
    %get3A_11 = vector.shape_cast %get3A_10 : vector<1x1000x128xf32> to vector<1000x128xf32>
    %add3A = arith.addf %get3A_6, %get3A_11 : vector<1000x128xf32>
    %get3A_12 = arith.constant 0 : index
    %get3A_13 = arith.constant 0 : index
    %get3A_14 = vector.load %arg2[%get3A_12, %get3A_13] : memref<1000x128xf32, #tpu.memory_space<vmem>>, vector<1000x128xf32>
    %add3A_15 = arith.addf %add3A, %get3A_14 : vector<1000x128xf32>
    %mul3A = vector.broadcast %get3A_1 : vector<1000x1xf32> to vector<1000x128xf32>
    %mul3A_16 = arith.mulf %mul3A, %add3A_15 : vector<1000x128xf32>
    %get3A_17 = arith.constant 0 : index
    %get3A_18 = arith.constant 0 : index
    %get3A_19 = vector.load %arg4[%get3A_17, %get3A_18] : memref<1x128xf32, #tpu.memory_space<vmem>>, vector<1x128xf32>
    %add3A_20 = vector.broadcast %get3A_19 : vector<1x128xf32> to vector<1000x128xf32>
    %add3A_21 = arith.addf %mul3A_16, %add3A_20 : vector<1000x128xf32>
    %ge3A = arith.constant 0.000000e+00 : f32
    %ge3A_22 = vector.broadcast %ge3A : f32 to vector<1000x128xf32>
    %ge3A_23 = arith.cmpf oge, %add3A_21, %ge3A_22 : vector<1000x128xf32>
    %get3A_24 = arith.constant 0 : index
    %get3A_25 = arith.constant 0 : index
    %get3A_26 = vector.load %arg5[%get3A_24, %get3A_25] : memref<1x128xf32, #tpu.memory_space<vmem>>, vector<1x128xf32>
    %mul3A_27 = vector.broadcast %get3A_26 : vector<1x128xf32> to vector<1000x128xf32>
    %mul3A_28 = arith.mulf %mul3A_27, %add3A_21 : vector<1000x128xf32>
    %select_n3A = arith.select %ge3A_23, %add3A_21, %mul3A_28 : vector<1000x128xi1>, vector<1000x128xf32>
    %get3A_29 = arith.constant 0 : index
    %get3A_30 = arith.constant 0 : index
    %get3A_31 = vector.load %arg6[%get3A_29, %get3A_30] : memref<128x128xf32, #tpu.memory_space<vmem>>, vector<128x128xf32>
    %dot_general3A = arith.constant dense<0.000000e+00> : vector<1000x128xf32>
    %dot_general3A_32 = tpu.matmul %select_n3A, %get3A_31, %dot_general3A {dimension_numbers = #tpu.dot_dimension_numbers<[1], [0], [0], [1], [0, 0, 1, 1], [], []>, transpose_lhs_hint = false} : vector<1000x128xf32>, vector<128x128xf32>, vector<1000x128xf32> -> vector<1000x128xf32>
    %mul3A_33 = vector.broadcast %get3A_1 : vector<1000x1xf32> to vector<1000x128xf32>
    %mul3A_34 = arith.mulf %dot_general3A_32, %mul3A_33 : vector<1000x128xf32>
    %swap3A = arith.constant 0 : index
    %swap3A_35 = arith.constant 0 : index
    %swap3A_36 = vector.load %arg7[%swap3A, %swap3A_35] : memref<1000x128xf32, #tpu.memory_space<vmem>>, vector<1000x128xf32>
    tpu.vector_store %arg7[%swap3A, %swap3A_35], %mul3A_34 {strides = array<i32>} : memref<1000x128xf32, #tpu.memory_space<vmem>>, vector<1000x128xf32>,
    return
  }
  func.func @transform_0(%arg0: i32) -> (i32, i32, i32) {
    %c0_i32 = arith.constant 0 : i32
    %c0_i32_0 = arith.constant 0 : i32
    %c0_i32_1 = arith.constant 0 : i32
    return %c0_i32, %arg0, %c0_i32_0 : i32, i32, i32
  }
  func.func @transform_1(%arg0: i32) -> (i32, i32) {
    %c0_i32 = arith.constant 0 : i32
    %c0_i32_0 = arith.constant 0 : i32
    return %arg0, %c0_i32 : i32, i32
  }
  func.func @transform_2(%arg0: i32) -> (i32, i32) {
    %c0_i32 = arith.constant 0 : i32
    %c0_i32_0 = arith.constant 0 : i32
    return %arg0, %c0_i32 : i32, i32
  }
  func.func @transform_3(%arg0: i32) -> (i32, i32) {
    %c0_i32 = arith.constant 0 : i32
    %c0_i32_0 = arith.constant 0 : i32
    %c0_i32_1 = arith.constant 0 : i32
    return %c0_i32, %c0_i32_0 : i32, i32
  }
  func.func @transform_4(%arg0: i32) -> (i32, i32) {
    %c0_i32 = arith.constant 0 : i32
    %c0_i32_0 = arith.constant 0 : i32
    %c0_i32_1 = arith.constant 0 : i32
    return %c0_i32, %c0_i32_0 : i32, i32
  }
  func.func @transform_5(%arg0: i32) -> (i32, i32) {
    %c0_i32 = arith.constant 0 : i32
    %c0_i32_0 = arith.constant 0 : i32
    %c0_i32_1 = arith.constant 0 : i32
    return %c0_i32, %c0_i32_0 : i32, i32
  }
  func.func @transform_6(%arg0: i32) -> (i32, i32) {
    %c0_i32 = arith.constant 0 : i32
    %c0_i32_0 = arith.constant 0 : i32
    return %arg0, %c0_i32 : i32, i32
  }
}

module attributes {stable_mosaic.version = 14 : i64} {
  func.func @_tc3_body(%arg0: i32, %arg1: memref<2x1000x128xf32, #tpu.memory_space<vmem>>, %arg2: memref<1000x128xf32, #tpu.memory_space<vmem>>, %arg3: memref<1000x8xf32, #tpu.memory_space<vmem>>, %arg4: memref<1x128xf32, #tpu.memory_space<vmem>>, %arg5: memref<1x128xf32, #tpu.memory_space<vmem>>, %arg6: memref<1000x128xf32, #tpu.memory_space<vmem>>) attributes {dimension_semantics = [#tpu.dimension_semantics<arbitrary>], iteration_bounds = array<i64: 10>, scalar_prefetch = 0 : i64, scratch_operands = 0 : i64, tpu.core_type = #tpu.core_type<tc>, window_params = [{transform_indices = @transform_0, window_bounds = array<i64: 2, 1000, 128>}, {transform_indices = @transform_1, window_bounds = array<i64: 1000, 128>}, {transform_indices = @transform_2, window_bounds = array<i64: 1000, 8>}, {pipeline_mode = #tpu.pipeline_mode<synchronous>, transform_indices = @transform_3, window_bounds = array<i64: 1, 128>}, {pipeline_mode = #tpu.pipeline_mode<synchronous>, transform_indices = @transform_4, window_bounds = array<i64: 1, 128>}, {transform_indices = @transform_5, window_bounds = array<i64: 1000, 128>}]} {
    %get3A = arith.constant 0 : index
    %get3A_0 = arith.constant 0 : index
    %get3A_1 = vector.load %arg3[%get3A, %get3A_0] : memref<1000x8xf32, #tpu.memory_space<vmem>>, vector<1000x1xf32>
    %get3A_2 = arith.constant 0 : index
    %get3A_3 = arith.constant 0 : index
    %get3A_4 = arith.constant 0 : index
    %get3A_5 = vector.load %arg1[%get3A_2, %get3A_3, %get3A_4] : memref<2x1000x128xf32, #tpu.memory_space<vmem>>, vector<1x1000x128xf32>
    %get3A_6 = vector.shape_cast %get3A_5 : vector<1x1000x128xf32> to vector<1000x128xf32>
    %get3A_7 = arith.constant 1 : index
    %get3A_8 = arith.constant 0 : index
    %get3A_9 = arith.constant 0 : index
    %get3A_10 = vector.load %arg1[%get3A_7, %get3A_8, %get3A_9] : memref<2x1000x128xf32, #tpu.memory_space<vmem>>, vector<1x1000x128xf32>
    %get3A_11 = vector.shape_cast %get3A_10 : vector<1x1000x128xf32> to vector<1000x128xf32>
    %add3A = arith.addf %get3A_6, %get3A_11 : vector<1000x128xf32>
    %get3A_12 = arith.constant 0 : index
    %get3A_13 = arith.constant 0 : index
    %get3A_14 = vector.load %arg2[%get3A_12, %get3A_13] : memref<1000x128xf32, #tpu.memory_space<vmem>>, vector<1000x128xf32>
    %add3A_15 = arith.addf %add3A, %get3A_14 : vector<1000x128xf32>
    %mul3A = vector.broadcast %get3A_1 : vector<1000x1xf32> to vector<1000x128xf32>
    %mul3A_16 = arith.mulf %mul3A, %add3A_15 : vector<1000x128xf32>
    %get3A_17 = arith.constant 0 : index
    %get3A_18 = arith.constant 0 : index
    %get3A_19 = vector.load %arg4[%get3A_17, %get3A_18] : memref<1x128xf32, #tpu.memory_space<vmem>>, vector<1x128xf32>
    %add3A_20 = vector.broadcast %get3A_19 : vector<1x128xf32> to vector<1000x128xf32>
    %add3A_21 = arith.addf %mul3A_16, %add3A_20 : vector<1000x128xf32>
    %ge3A = arith.constant 0.000000e+00 : f32
    %ge3A_22 = vector.broadcast %ge3A : f32 to vector<1000x128xf32>
    %ge3A_23 = arith.cmpf oge, %add3A_21, %ge3A_22 : vector<1000x128xf32>
    %get3A_24 = arith.constant 0 : index
    %get3A_25 = arith.constant 0 : index
    %get3A_26 = vector.load %arg5[%get3A_24, %get3A_25] : memref<1x128xf32, #tpu.memory_space<vmem>>, vector<1x128xf32>
    %mul3A_27 = vector.broadcast %get3A_26 : vector<1x128xf32> to vector<1000x128xf32>
    %mul3A_28 = arith.mulf %mul3A_27, %add3A_21 : vector<1000x128xf32>
    %select_n3A = arith.select %ge3A_23, %add3A_21, %mul3A_28 : vector<1000x128xi1>, vector<1000x128xf32>
    %swap3A = arith.constant 0 : index
    %swap3A_29 = arith.constant 0 : index
    %swap3A_30 = vector.load %arg6[%swap3A, %swap3A_29] : memref<1000x128xf32, #tpu.memory_space<vmem>>, vector<1000x128xf32>
    tpu.vector_store %arg6[%swap3A, %swap3A_29], %select_n3A {strides = array<i32>} : memref<1000x128xf32, #tpu.memory_space<vmem>>, vector<1000x128xf32>,
    return
  }
  func.func @transform_0(%arg0: i32) -> (i32, i32, i32) {
    %c0_i32 = arith.constant 0 : i32
    %c0_i32_0 = arith.constant 0 : i32
    %c0_i32_1 = arith.constant 0 : i32
    return %c0_i32, %arg0, %c0_i32_0 : i32, i32, i32
  }
  func.func @transform_1(%arg0: i32) -> (i32, i32) {
    %c0_i32 = arith.constant 0 : i32
    %c0_i32_0 = arith.constant 0 : i32
    return %arg0, %c0_i32 : i32, i32
  }
  func.func @transform_2(%arg0: i32) -> (i32, i32) {
    %c0_i32 = arith.constant 0 : i32
    %c0_i32_0 = arith.constant 0 : i32
    return %arg0, %c0_i32 : i32, i32
  }
  func.func @transform_3(%arg0: i32) -> (i32, i32) {
    %c0_i32 = arith.constant 0 : i32
    %c0_i32_0 = arith.constant 0 : i32
    %c0_i32_1 = arith.constant 0 : i32
    return %c0_i32, %c0_i32_0 : i32, i32
  }
  func.func @transform_4(%arg0: i32) -> (i32, i32) {
    %c0_i32 = arith.constant 0 : i32
    %c0_i32_0 = arith.constant 0 : i32
    %c0_i32_1 = arith.constant 0 : i32
    return %c0_i32, %c0_i32_0 : i32, i32
  }
  func.func @transform_5(%arg0: i32) -> (i32, i32) {
    %c0_i32 = arith.constant 0 : i32
    %c0_i32_0 = arith.constant 0 : i32
    return %arg0, %c0_i32 : i32, i32
  }
}

</mosaic_0001>

<sc_bundles>
// kernel: kernel.11.cloned.1.call-start
scs
__scs_entry_jumppad:
0x0: {  	(pc) =	sbr.rel $0x88, $3  }
0x1: {  	(tag) =	ssettag $0x0;
	lr =	simm.s32 $0x1  }
0x2: {  	[smem:$0x3F99] =	sst lr;
	_ =	strace $0xD0000000  }
0x3: {  	_ = 	snop  }
0x4: {  	_ = 	snop  }
0x5: {  	_ = 	snop  }
0x6: {  	_ = 	snop  }
0x7: {  	_ = 	snop  }
__scs_overlays_trampoline_lowered:
0x8: {  	[smem:$0x3FA8] =	sst s0  }
0x9: {  	[smem:$0x3FA9] =	sst s1  }
0xa: {  	[smem:$0x3FAA] =	sst s2  }
0xb: {  	[smem:$0x3FAB] =	sst s3  }
0xc: {  	[smem:$0x3FAC] =	sst s4  }
0xd: {  	[smem:$0x3FAD] =	sst s5  }
0xe: {  	[smem:$0x3FAE] =	sst s6  }
0xf: {  	[smem:$0x3FAF] =	sst s7  }
0x10: {  	[smem:$0x3FB0] =	sst s8  }
0x11: {  	[smem:$0x3FB1] =	sst s9;
	s0 =	simm.s32 @!p0 $0x0  }
0x12: {  	s1 =	sld [smem:$0x3F97];
	s0 =	simm.s32 @p0 $0x1  }
0x13: {  	[smem:$0x3FB2] =	sst s0;
	s0 =	simm.s32 @!p1 $0x0  }
0x14: {  	s2 =	sld [smem:$0x3F96];
	s0 =	simm.s32 @p1 $0x1  }
0x15: {  	[smem:$0x3FB3] =	sst s0;
	s0 =	simm.s32 @!p2 $0x0  }
0x16: {  	s3 =	sld [smem:$0x3FDB];
	s0 =	simm.s32 @p2 $0x1  }
0x17: {  	s4 =	simm.s32 $0x1BF5;
	[smem:$0x3FB5] =	sst s0  }
0x18: {  	s0 =	sld [smem:$0x3F98];
	_ =	swait.ge [sflag:s4], $0x0  }
0x19: {  	s7 =	sld [smem:$0x3F99]  }
0x1a: {  	s8 =	sadd.s32 $0xFFFFE003, lr  }
0x1b: {  	s9 =	sadd.s32 $0xFFFFFEF7, lr;
	s5 =	simm.s32 $0xFFFFFFFF;
	p2 =	slt.u32 s8, $0xFFFFF086  }
0x1c: {  	p1 =	slt.u32 s9, $0xF7A;
	s5 =	simm.s32 @!p2 $0x0  }
0x1d: {  	s5 =	simm.s32 @p1 $0x1;
	p0 =	seq.s32 s7, s2  }
0x1e: {  	s7 =	smul.u32 @!p0 $0xF7A, s2;
	p2 =	seq.s32 @!p0 s5, $0x0  }
0x1f: {  	s9 =	smul.u32 $0xF7A, s1;
	s8 =	simm.s32 @!p0 $0x1BF5;
	p2 =	por !p2, p0  }
0x20: {  	[sflag:s8] =	ssyncset.s32 @!p0 $0xFFFFF086;
	s6 =	sadd.s32 @!p0 s3, s7;
	s7 =	simm.s32 @!p0 $0x108  }
0x21: {  	s3 =	sadd.s32 s3, s9;
	s6 =	sadd.s32 @!p0 $0x88, s6;
	s7 =	simm.s32 @p2 $0x1082  }
0x22: {  	[simem:s7], [sflag:s8] =	dma.local @!p0 [hbm:s6], $0xF7A  }
0x23: {  	s9 =	sor.u32 $0xD0000000, s2;
	s6 =	simm.s32 $0x108;
	_ =	swait.ge @!p0 [sflag:s8], $0x0  }
0x24: {  	s3 =	sadd.s32 $0x88, s3;
	s6 =	simm.s32 @!p1 $0x1082;
	[sflag:s4] =	ssyncset.s32 $0xFFFFF086  }
0x25: {  	[simem:s6], [sflag:s4] =	dma.local [hbm:s3], $0xF7A  }
0x26: {  	[smem:$0x3F99] =	sst s1;
	(tag) =	ssettag s2;
	_ =	strace s9  }
0x27: {  	s1 =	sld [smem:$0x3FA9]  }
0x28: {  	s2 =	sld [smem:$0x3FAA]  }
0x29: {  	s4 =	sld [smem:$0x3FAC]  }
0x2a: {  	p0 =	seq.s32 s5, $0x0;
	s5 =	sld [smem:$0x3FAD]  }
0x2b: {  	s6 =	sld [smem:$0x3FAE]  }
0x2c: {  	s7 =	sld [smem:$0x3FAF]  }
0x2d: {  	s3 =	simm.s32 $0x108;
	s8 =	sld [smem:$0x3FB0]  }
0x2e: {  	s3 =	simm.s32 @!p0 $0x1082;
	s9 =	sld [smem:$0x3FB1]  }
0x2f: {  	lr =	sadd.s32 s0, s3;
	s0 =	sld [smem:$0x3FA8]  }
0x30: {  	s3 =	sld [smem:$0x3FAB]  }
0x31: {  	[smem:$0x3FB4] =	sst s10  }
0x32: {  	s10 =	sld [smem:$0x3FB2];
	_ =	sdelay $0x3  }
0x33: {  	p0 =	seq.s32 s10, $0x1;
	s10 =	sld [smem:$0x3FB4];
	_ =	sdelay $0x3  }
0x34: {  	[smem:$0x3FB4] =	sst s10  }
0x35: {  	s10 =	sld [smem:$0x3FB3];
	_ =	sdelay $0x3  }
0x36: {  	p1 =	seq.s32 s10, $0x1;
	s10 =	sld [smem:$0x3FB4];
	_ =	sdelay $0x3  }
0x37: {  	[smem:$0x3FB4] =	sst s10  }
0x38: {  	s10 =	sld [smem:$0x3FB5]  }
0x39: {  	_ = 	snop;
	(pc) =	sbr.ind lr, $3  }
0x3a: {  	_ = 	snop  }
0x3b: {  	_ = 	snop  }
0x3c: {  	p2 =	seq.s32 s10, $0x1;
	s10 =	sld [smem:$0x3FB4]  }
0x3d: {  	_ =	shalt  }
0x3e: {  	_ =	shalt  }
0x3f: {  	_ =	shalt  }
0x40: {  	_ =	shalt  }
0x41: {  	_ =	shalt  }
0x42: {  	_ =	shalt  }
0x43: {  	_ =	shalt  }
0x44: {  	_ =	shalt  }
0x45: {  	_ =	shalt  }
0x46: {  	_ =	shalt  }
0x47: {  	_ =	shalt  }
0x48: {  	_ =	shalt  }
0x49: {  	_ =	shalt  }
0x4a: {  	_ =	shalt  }
0x4b: {  	_ =	shalt  }
0x4c: {  	_ =	shalt  }
0x4d: {  	_ =	shalt  }
0x4e: {  	_ =	shalt  }
0x4f: {  	_ =	shalt  }
0x50: {  	_ =	shalt  }
0x51: {  	_ =	shalt  }
0x52: {  	_ =	shalt  }
0x53: {  	_ =	shalt  }
0x54: {  	_ =	shalt  }
0x55: {  	_ =	shalt  }
0x56: {  	_ =	shalt  }
0x57: {  	_ =	shalt  }
0x58: {  	_ =	shalt  }
0x59: {  	_ =	shalt  }
0x5a: {  	_ =	shalt  }
0x5b: {  	_ =	shalt  }
0x5c: {  	_ =	shalt  }
0x5d: {  	_ =	shalt  }
0x5e: {  	_ =	shalt  }
0x5f: {  	_ =	shalt  }
0x60: {  	_ =	shalt  }
0x61: {  	_ =	shalt  }
0x62: {  	_ =	shalt  }
0x63: {  	_ =	shalt  }
0x64: {  	_ =	shalt  }
0x65: {  	_ =	shalt  }
0x66: {  	_ =	shalt  }
0x67: {  	_ =	shalt  }
0x68: {  	_ =	shalt  }
0x69: {  	_ =	shalt  }
0x6a: {  	_ =	shalt  }
0x6b: {  	_ =	shalt  }
0x6c: {  	_ =	shalt  }
0x6d: {  	_ =	shalt  }
0x6e: {  	_ =	shalt  }
0x6f: {  	_ =	shalt  }
0x70: {  	_ =	shalt  }
0x71: {  	_ =	shalt  }
0x72: {  	_ =	shalt  }
0x73: {  	_ =	shalt  }
0x74: {  	_ =	shalt  }
0x75: {  	_ =	shalt  }
0x76: {  	_ =	shalt  }
0x77: {  	_ =	shalt  }
0x78: {  	_ =	shalt  }
0x79: {  	_ =	shalt  }
0x7a: {  	_ =	shalt  }
0x7b: {  	_ =	shalt  }
0x7c: {  	_ =	shalt  }
0x7d: {  	_ =	shalt  }
0x7e: {  	_ =	shalt  }
0x7f: {  	_ =	shalt  }
0x80: {  	_ =	shalt  }
0x81: {  	_ =	shalt  }
0x82: {  	_ =	shalt  }
0x83: {  	_ =	shalt  }
0x84: {  	_ =	shalt  }
0x85: {  	_ =	shalt  }
0x86: {  	_ =	shalt  }
0x87: {  	_ =	shalt  }
.Lfunc_end0:
.L_simem_size_0:
called_computation.1_lowered:
.L_overlay_start_0:
0x88: {  	s2 =	sld [smem:$0x3FD9]  }
0x89: {  	s3 =	sld [smem:$0x3FFE];
	_ =	sdelay $0x1  }
0x8a: {  	s1 =	srdreg.scid  }
0x8b: {  	s0 =	sand.u32 $0x1, s1  }
0x8c: {  	s17 =	sshll.u32 s0, $0xA;
	s2 =	sadd.s32 s3, s2  }
0x8d: {  	s2 =	sadd.s32 s2, s17  }
0x8e: {  	[smem:$0x3FC0] =	sst s2  }
0x8f: {  	_ = 	snop  }
0x90: {  	s2 =	sld [smem:$0x3FD0];
	(tm) =	ssettm $0x1  }
0x91: {  	s18 =	sld [smem:$0x3FFB];
	_ =	sdelay $0x3  }
0x92: {  	_ =	strace s18  }
0x93: {  	s3 =	sld [smem:$0x3FFC];
	_ =	sdelay $0x3  }
0x94: {  	_ =	strace s3  }
0x95: {  	s3 =	sld [smem:$0x3FFD];
	_ =	sdelay $0x3  }
0x96: {  	_ =	strace s3  }
0x97: {  	_ =	strace $0x8FFFFFFF  }
0x98: {  	s19 =	sld [smem:$0x3FDB];
	_ =	sdelay $0x1  }
0x99: {  	s4 =	simm.s32 $_scs_section_size  }
0x9a: {  	s5 =	simm.s32 $_size__tile_overlayer_lowered;
	s6 =	simm.s32 $_tile_overlayer_lowered  }
0x9b: {  	s22 =	simm.s32 $0x1BFF;
	s21 =	sshll.u32 s6, $0x1;
	s3 =	sadd.s32 s4, s19  }
0x9c: {  	s7 =	simm.s32 $0x0;
	s20 =	sshll.u32 s5, $0x1;
	s5 =	sadd.s32 s21, s3  }
0x9d: {  	[timem:s7], [sflag:s22] =	dma.local [hbm:s5], s20  }
0x9e: {  	_ =	swait.ge [sflag:s22], s20  }
0x9f: {  	s4 =	ssub.s32 $0x0, s20;
	[sflag:s22] =	ssyncset.done $0x0  }
0xa0: {  	[sflag:s22] =	ssyncadd.s32 s4;
	_ =	sdelay $0x1  }
0xa1: {  	s23 =	simm.s32 $0x1B8B  }
0xa2: {  	_ =	swait.ge [sflag:s23], $0x1  }
0xa3: {  	[sflag:s23] =	ssyncset.done $0x0  }
0xa4: {  	s25 =	simm.s32 $0x1B8E;
	s24 =	sld [smem:$0x3FFE];
	[sflag:s23] =	ssyncadd.s32 $0xFFFFFFFF  }
0xa5: {  	s26 =	simm.s32 $execute0_lowered;
	[smem:$0x3FD2] =	sst s25  }
0xa6: {  	s5 =	sshll.u32 s26, $0x1;
	_ =	strace $0x80000049;
	[dreg:$0x1] =	wrdreg $0xFFFFFFFF  }
0xa7: {  	s28 =	simm.s32 $_size_execute0_lowered;
	s3 =	sadd.s32 s3, s5;
	[dreg:$0x0] =	wrdreg $0x0  }
0xa8: {  	s5 =	sshll.u32 s28, $0x1;
	[dreg:$0x2] =	wrdreg s3  }
0xa9: {  	[dreg:$0x3] =	wrdreg s5  }
0xaa: {  	[dreg:$0x4] =	wrdreg $0xC0  }
0xab: {  	_ =	task [dreg:s7], $0x5FFFF  }
0xac: {  	[dreg:$0x1] =	wrdreg $0xFFFFFFFF  }
0xad: {  	[dreg:$0x0] =	wrdreg $0x60  }
0xae: {  	[dreg:$0x2] =	wrdreg s24  }
0xaf: {  	[dreg:$0x3] =	wrdreg s2  }
0xb0: {  	[dreg:$0x4] =	wrdreg $0xA8000  }
0xb1: {  	[dreg:$0x5] =	wrdreg $0x9  }
0xb2: {  	_ =	task.clear_ibuf [dreg:s7], $0x6FFFF;
	_ =	strace $0x90000049  }
0xb3: {  	s29 =	simm.s32 $0x9;
	_ =	strace $0x8000004B  }
0xb4: {  	_ =	swait.ge [sflag:s29], $0x1  }
0xb5: {  	[sflag:s29] =	ssyncadd.s32 $0xFFFFFFFF  }
0xb6: {  	_ =	strace $0x9000004B  }
0xb7: {  	_ =	sfence  }
0xb8: {  	s30 =	sld [smem:$0x0];
	_ =	sdelay $0x2  }
0xb9: {  	s31 =	sshll.u32 s1, $0xD;
	s1 =	sshrl.u32 s1, $0x2  }
0xba: {  	s3 =	sand.u32 $0x4000, s31;
	s1 =	sadd.s32 s1, s30  }
0xbb: {  	s0 =	sor.u32 s3, s0;
	s1 =	sshll.u32 s1, $0x11  }
0xbc: {  	s0 =	sor.u32 s1, s0  }
0xbd: {  	s0 =	sadd.s32 $0x8F2B, s0  }
0xbe: {  	[sflag:s0] =	ssyncadd.remote.s32 $0x1  }
0xbf: {  	_ =	sfence.sel $0xFFFF  }
0xc0: {  	[dreg:$0x0] =	wrdreg $0xFFFFFFFF;
	(pc) =	sbr.abs _section_cstart, $3  }
0xc1: {  	[dreg:$0x1] =	wrdreg $0xFFFFFFFF  }
0xc2: {  	_ =	task.clear_ibuf [dreg:s7], $0x2FFFF;
	_ =	strace $0x9FFFFFFF  }
0xc3: {  	(tm) =	ssettm $0x7FFFFFFF  }
tec
execute0_lowered:
.L_overlay_start_1:
0x0: {  	(tag) =	ssettag $0x1  }
0x1: {  	s6 =	rddreg [dreg:$0x0]  }
0x2: {  	s1 =	rddreg [dreg:$0x1]  }
0x3: {  	s2 =	rddreg [dreg:$0x2]  }
0x4: {  	s3 =	srdreg.scid;
	s0 =	rddreg [dreg:$0x3];
	s4 =	simm.s32 $0x0  }
0x5: {  	s16 =	simm.s32 $0x7D;
	s17 =	simm.s32 $0x2800;
	s18 =	simm.s32 $0x6800  }
0x6: {  	s19 =	simm.s32 $0x1;
	s20 =	simm.s32 $0x2;
	s21 =	simm.s32 $0x1380  }
0x7: {  	s22 =	simm.s32 $0x2700;
	s23 =	simm.s32 $0x2780;
	s24 =	simm.s32 $0x0  }
0x8: {  	s7 =	sand.u32 $0x1, s3;
	s3 =	stileid.u32;
	[smem:$0x7FF] =	sst s4  }
0x9: {  	s11 =	sadd.s32 $0xDC00, s6;
	s12 =	sadd.s32 $0x3C00, s6;
	s5 =	smul.u32 $0x13C000, s7  }
0xa: {  	s8 =	smul.u32 $0x13C00, s3;
	_ =	strace $0x8000004A;
	s9 =	ssub.s32 $0x2, s7  }
0xb: {  	s13 =	sshll.u32 s3, $0x1;
	s14 =	smul.u32 $0x4F000, s3;
	s31 =	sshll.u32 s3, $0x6  }
0xc: {  	s10 =	sshrl.u32 s9, $0x1;
	s29 =	sor.u32 s7, s13;
	s8 =	sadd.s32 s8, s5  }
0xd: {  	s5 =	sadd.s32 $0x17C00, s6;
	s30 =	sshrl.u32 s14, $0x2;
	s13 =	smul.u32 $0x500, s29  }
0xe: {  	s9 =	ssub.s32 s9, s10;
	s8 =	sshrl.u32 s8, $0x3;
	s14 =	sadd.s32 s30, s2  }
0xf: {  	s8 =	sadd.s32 s8, s6;
	s6 =	sor.u32 $0x1C03, s31;
	s15 =	sadd.s32 $0x280, s13  }
0x10: {  	s10 =	sadd.s32 s12, s13;
	s7 =	sadd.s32 $0x1A400, s8;
	s8 =	smax.u32 s9, $0x1  }
0x11: {  	s9 =	sadd.s32 s11, s13;
	s11 =	sadd.s32 s11, s15;
	s12 =	sadd.s32 s12, s15  }
0x12: {  	s13 =	sshrl.u32 s14, $0x3;
	s14 =	simm.s32 $0x3;
	s15 =	simm.s32 $0x1400  }
.LBB2_1:
0x13: {  	[spmem:s13], [sflag:s6] =	dma.local [hbm:s5], $0x2780  }
0x14: {  	_ =	swait.ge [sflag:s14], $0x2780  }
0x15: {  	[sflag:s14] =	ssyncset.done $0x0  }
0x16: {  	[sflag:s14] =	ssyncadd.s32 $0xFFFFD880  }
0x17: {  	[bflag:$0x0] =	sbarrier.arrive $0xFFFF  }
0x18: {  	[tilespmem:s4], [sflag:$0x3] =	stream.linear.gather [hbm4b:s9+s4], $0x1400, $0x38;
	[tilespmem:$0x1E400] =	vst v63  }
0x19: {  	_ =	swait.ge [sflag:s14], $0x1400  }
0x1a: {  	[sflag:s14] =	ssyncset.done $0x0  }
0x1b: {  	[sflag:s14] =	ssyncadd.s32 $0xFFFFEC00  }
0x1c: {  	[tilespmem:s15], [sflag:$0x3] =	stream.linear.gather [hbm4b:s10+s4], $0x1400, $0x38;
	[tilespmem:$0x1E400] =	vst v63  }
0x1d: {  	_ =	swait.ge [sflag:s14], $0x1400  }
0x1e: {  	[sflag:s14] =	ssyncset.done $0x0  }
0x1f: {  	[sflag:s14] =	ssyncadd.s32 $0xFFFFEC00  }
0x20: {  	[tilespmem:s17], [sflag:$0x1] =	stream.indirect.gather [hbm4b:s1+s16], $0x80, s4, s16, $0xb8;
	[tilespmem:$0x1E400] =	vst v63  }
0x21: {  	s25 =	simm.s32 $0x80  }
0x22: {  	[tilespmem:s18], [sflag:$0x2] =	stream.indirect.gather [hbm4b:s1+s16], $0x80, s25, s16, $0xb8;
	[tilespmem:$0x1E400] =	vst v63  }
0x23: {  	_ =	swait.ge [sflag:s19], $0x3E80  }
0x24: {  	[sflag:s19] =	ssyncset.done $0x0  }
0x25: {  	s29 =	simm.s32 $0x1400;
	[sflag:s19] =	ssyncadd.s32 $0xFFFFC180  }
0x26: {  	[spmem:s2] =	stream.indirect.scatter.add.f32 [tilespmem:s17], [sflag:$0x3], $0x80, s29, s16, $0xb8;
	[tilespmem:$0x1E400] =	vst v63  }
0x27: {  	_ =	swait.ge [sflag:s14], $0x3E80  }
0x28: {  	[sflag:s14] =	ssyncset.done $0x0  }
0x29: {  	s30 =	simm.s32 $0x100;
	[sflag:s14] =	ssyncadd.s32 $0xFFFFC180  }
0x2a: {  	[tilespmem:s17], [sflag:$0x1] =	stream.indirect.gather [hbm4b:s1+s16], $0x80, s30, s16, $0xb8;
	[tilespmem:$0x1E400] =	vst v63  }
0x2b: {  	_ =	swait.ge [sflag:s20], $0x3E80  }
0x2c: {  	[sflag:s20] =	ssyncset.done $0x0  }
0x2d: {  	s31 =	simm.s32 $0x1480;
	[sflag:s20] =	ssyncadd.s32 $0xFFFFC180  }
0x2e: {  	[spmem:s2] =	stream.indirect.scatter.add.f32 [tilespmem:s18], [sflag:$0x3], $0x80, s31, s16, $0xb8;
	[tilespmem:$0x1E400] =	vst v63  }
0x2f: {  	_ =	swait.ge [sflag:s14], $0x3E80  }
0x30: {  	s26 =	simm.s32 $0x800;
	s25 =	simm.s32 $0x100;
	[sflag:s14] =	ssyncset.done $0x0  }
.LBB2_2:
0x31: {  	s28 =	sadd.s32 $0x80, s25  }
0x32: {  	[sflag:s14] =	ssyncadd.s32 $0xFFFFC180;
	s29 =	smov.u32 s26;
	s30 =	sadd.s32 $0x400, s26  }
0x33: {  	[tilespmem:s18], [sflag:$0x2] =	stream.indirect.gather [hbm4b:s1+s16], $0x80, s28, s16, $0xb8;
	[tilespmem:$0x1E400] =	vst v63  }
0x34: {  	p0 =	sne.s32 s26, $0x4800;
	_ =	swait.ge [sflag:s19], $0x3E80  }
0x35: {  	[sflag:s19] =	ssyncset.done $0x0  }
0x36: {  	s26 =	sadd.s32 $0x1400, s25;
	[sflag:s19] =	ssyncadd.s32 $0xFFFFC180  }
0x37: {  	[spmem:s2] =	stream.indirect.scatter.add.f32 [tilespmem:s17], [sflag:$0x3], $0x80, s26, s16, $0xb8;
	[tilespmem:$0x1E400] =	vst v63  }
0x38: {  	_ =	swait.ge [sflag:s14], $0x3E80  }
0x39: {  	[sflag:s14] =	ssyncset.done $0x0  }
0x3a: {  	s26 =	sadd.s32 $0x100, s25;
	[sflag:s14] =	ssyncadd.s32 $0xFFFFC180  }
0x3b: {  	[tilespmem:s17], [sflag:$0x1] =	stream.indirect.gather [hbm4b:s1+s16], $0x80, s26, s16, $0xb8;
	[tilespmem:$0x1E400] =	vst v63  }
0x3c: {  	_ =	swait.ge [sflag:s20], $0x3E80  }
.Ltmp0:
0x3d: {  	[sflag:s20] =	ssyncset.done $0x0;
	(pc) =	sbr.rel @p0 .LBB2_2-.Ltmp0, $4  }
0x3e: {  	s25 =	sadd.s32 $0x1480, s25;
	[sflag:s20] =	ssyncadd.s32 $0xFFFFC180  }
0x3f: {  	[spmem:s2] =	stream.indirect.scatter.add.f32 [tilespmem:s18], [sflag:$0x3], $0x80, s25, s16, $0xb8;
	[tilespmem:$0x1E400] =	vst v63  }
0x40: {  	_ =	swait.ge [sflag:s14], $0x3E80  }
0x41: {  	s26 =	smov.u32 s30;
	s25 =	sshra.s32 s29, $0x2;
	[sflag:s14] =	ssyncset.done $0x0  }
0x42: {  	s26 =	sadd.s32 $0x80, s25;
	[sflag:s14] =	ssyncadd.s32 $0xFFFFC180  }
0x43: {  	[tilespmem:s18], [sflag:$0x2] =	stream.indirect.gather [hbm4b:s1+s16], $0x80, s26, s16, $0xb8;
	[tilespmem:$0x1E400] =	vst v63  }
0x44: {  	_ =	swait.ge [sflag:s19], $0x3E80  }
0x45: {  	[sflag:s19] =	ssyncset.done $0x0  }
0x46: {  	s29 =	sadd.s32 $0x1400, s25;
	[sflag:s19] =	ssyncadd.s32 $0xFFFFC180  }
0x47: {  	[spmem:s2] =	stream.indirect.scatter.add.f32 [tilespmem:s17], [sflag:$0x3], $0x80, s29, s16, $0xb8;
	[tilespmem:$0x1E400] =	vst v63  }
0x48: {  	_ =	swait.ge [sflag:s14], $0x3E80  }
0x49: {  	[sflag:s14] =	ssyncset.done $0x0  }
0x4a: {  	s30 =	sadd.s32 $0x100, s25;
	[sflag:s14] =	ssyncadd.s32 $0xFFFFC180  }
0x4b: {  	[tilespmem:s17], [sflag:$0x1] =	stream.indirect.gather [hbm4b:s1+s16], $0x80, s30, s16, $0xb8;
	[tilespmem:$0x1E400] =	vst v63  }
0x4c: {  	_ =	swait.ge [sflag:s20], $0x3E80  }
0x4d: {  	[sflag:s20] =	ssyncset.done $0x0  }
0x4e: {  	s31 =	sadd.s32 $0x1480, s25;
	[sflag:s20] =	ssyncadd.s32 $0xFFFFC180  }
0x4f: {  	[spmem:s2] =	stream.indirect.scatter.add.f32 [tilespmem:s18], [sflag:$0x3], $0x80, s31, s16, $0xb8;
	[tilespmem:$0x1E400] =	vst v63  }
0x50: {  	_ =	swait.ge [sflag:s14], $0x3E80  }
0x51: {  	[sflag:s14] =	ssyncset.done $0x0  }
0x52: {  	[sflag:s14] =	ssyncadd.s32 $0xFFFFC180  }
0x53: {  	[tilespmem:s18], [sflag:$0x2] =	stream.indirect.gather [hbm4b:s1+s16], $0x80, s21, s16, $0xb8;
	[tilespmem:$0x1E400] =	vst v63  }
0x54: {  	_ =	swait.ge [sflag:s19], $0x3E80  }
0x55: {  	[sflag:s19] =	ssyncset.done $0x0  }
0x56: {  	[sflag:s19] =	ssyncadd.s32 $0xFFFFC180  }
0x57: {  	[spmem:s2] =	stream.indirect.scatter.add.f32 [tilespmem:s17], [sflag:$0x3], $0x80, s22, s16, $0xb8;
	[tilespmem:$0x1E400] =	vst v63  }
0x58: {  	_ =	swait.ge [sflag:s14], $0x3E80  }
0x59: {  	[sflag:s14] =	ssyncset.done $0x0  }
0x5a: {  	[sflag:s14] =	ssyncadd.s32 $0xFFFFC180  }
0x5b: {  	_ =	swait.ge [sflag:s20], $0x3E80  }
0x5c: {  	[sflag:s20] =	ssyncset.done $0x0  }
0x5d: {  	[sflag:s20] =	ssyncadd.s32 $0xFFFFC180  }
0x5e: {  	[spmem:s2] =	stream.indirect.scatter.add.f32 [tilespmem:s18], [sflag:$0x3], $0x80, s23, s16, $0xb8;
	[tilespmem:$0x1E400] =	vst v63  }
0x5f: {  	_ =	swait.ge [sflag:s14], $0x3E80  }
0x60: {  	[sflag:s14] =	ssyncset.done $0x0  }
0x61: {  	s26 =	simm.s32 $0x0;
	[sflag:s14] =	ssyncadd.s32 $0xFFFFC180  }
0x62: {  	[tilespmem:s26], [sflag:$0x3] =	stream.linear.gather [hbm4b:s11+s26], $0x1400, $0x38;
	[tilespmem:$0x1E400] =	vst v63  }
0x63: {  	_ =	swait.ge [sflag:s14], $0x1400  }
0x64: {  	[sflag:s14] =	ssyncset.done $0x0  }
0x65: {  	[sflag:s14] =	ssyncadd.s32 $0xFFFFEC00  }
0x66: {  	[tilespmem:s15], [sflag:$0x3] =	stream.linear.gather [hbm4b:s12+s26], $0x1400, $0x38;
	[tilespmem:$0x1E400] =	vst v63  }
0x67: {  	_ =	swait.ge [sflag:s14], $0x1400  }
0x68: {  	[sflag:s14] =	ssyncset.done $0x0  }
0x69: {  	[sflag:s14] =	ssyncadd.s32 $0xFFFFEC00  }
0x6a: {  	[tilespmem:s17], [sflag:$0x1] =	stream.indirect.gather [hbm4b:s1+s16], $0x80, s26, s16, $0xb8;
	[tilespmem:$0x1E400] =	vst v63  }
0x6b: {  	s28 =	simm.s32 $0x80  }
0x6c: {  	[tilespmem:s18], [sflag:$0x2] =	stream.indirect.gather [hbm4b:s1+s16], $0x80, s28, s16, $0xb8;
	[tilespmem:$0x1E400] =	vst v63  }
0x6d: {  	_ =	swait.ge [sflag:s19], $0x3E80  }
0x6e: {  	[sflag:s19] =	ssyncset.done $0x0  }
0x6f: {  	s29 =	simm.s32 $0x1400;
	[sflag:s19] =	ssyncadd.s32 $0xFFFFC180  }
0x70: {  	[spmem:s2] =	stream.indirect.scatter.add.f32 [tilespmem:s17], [sflag:$0x3], $0x80, s29, s16, $0xb8;
	[tilespmem:$0x1E400] =	vst v63  }
0x71: {  	_ =	swait.ge [sflag:s14], $0x3E80  }
0x72: {  	[sflag:s14] =	ssyncset.done $0x0  }
0x73: {  	s30 =	simm.s32 $0x100;
	[sflag:s14] =	ssyncadd.s32 $0xFFFFC180  }
0x74: {  	[tilespmem:s17], [sflag:$0x1] =	stream.indirect.gather [hbm4b:s1+s16], $0x80, s30, s16, $0xb8;
	[tilespmem:$0x1E400] =	vst v63  }
0x75: {  	_ =	swait.ge [sflag:s20], $0x3E80  }
0x76: {  	[sflag:s20] =	ssyncset.done $0x0  }
0x77: {  	s31 =	simm.s32 $0x1480;
	[sflag:s20] =	ssyncadd.s32 $0xFFFFC180  }
0x78: {  	[spmem:s2] =	stream.indirect.scatter.add.f32 [tilespmem:s18], [sflag:$0x3], $0x80, s31, s16, $0xb8;
	[tilespmem:$0x1E400] =	vst v63  }
0x79: {  	_ =	swait.ge [sflag:s14], $0x3E80  }
0x7a: {  	s25 =	simm.s32 $0x100;
	s26 =	simm.s32 $0x800;
	[sflag:s14] =	ssyncset.done $0x0  }
.LBB2_4:
0x7b: {  	s28 =	sadd.s32 $0x80, s25  }
0x7c: {  	[sflag:s14] =	ssyncadd.s32 $0xFFFFC180;
	s29 =	smov.u32 s26;
	s30 =	sadd.s32 $0x400, s26  }
0x7d: {  	[tilespmem:s18], [sflag:$0x2] =	stream.indirect.gather [hbm4b:s1+s16], $0x80, s28, s16, $0xb8;
	[tilespmem:$0x1E400] =	vst v63  }
0x7e: {  	p0 =	sne.s32 s26, $0x4800;
	_ =	swait.ge [sflag:s19], $0x3E80  }
0x7f: {  	[sflag:s19] =	ssyncset.done $0x0  }
0x80: {  	s26 =	sadd.s32 $0x1400, s25;
	[sflag:s19] =	ssyncadd.s32 $0xFFFFC180  }
0x81: {  	[spmem:s2] =	stream.indirect.scatter.add.f32 [tilespmem:s17], [sflag:$0x3], $0x80, s26, s16, $0xb8;
	[tilespmem:$0x1E400] =	vst v63  }
0x82: {  	_ =	swait.ge [sflag:s14], $0x3E80  }
0x83: {  	[sflag:s14] =	ssyncset.done $0x0  }
0x84: {  	s26 =	sadd.s32 $0x100, s25;
	[sflag:s14] =	ssyncadd.s32 $0xFFFFC180  }
0x85: {  	[tilespmem:s17], [sflag:$0x1] =	stream.indirect.gather [hbm4b:s1+s16], $0x80, s26, s16, $0xb8;
	[tilespmem:$0x1E400] =	vst v63  }
0x86: {  	_ =	swait.ge [sflag:s20], $0x3E80  }
.Ltmp1:
0x87: {  	[sflag:s20] =	ssyncset.done $0x0;
	(pc) =	sbr.rel @p0 .LBB2_4-.Ltmp1, $4  }
0x88: {  	s25 =	sadd.s32 $0x1480, s25;
	[sflag:s20] =	ssyncadd.s32 $0xFFFFC180  }
0x89: {  	[spmem:s2] =	stream.indirect.scatter.add.f32 [tilespmem:s18], [sflag:$0x3], $0x80, s25, s16, $0xb8;
	[tilespmem:$0x1E400] =	vst v63  }
0x8a: {  	_ =	swait.ge [sflag:s14], $0x3E80  }
0x8b: {  	s26 =	smov.u32 s30;
	s25 =	sshra.s32 s29, $0x2;
	[sflag:s14] =	ssyncset.done $0x0  }
0x8c: {  	s26 =	sadd.s32 $0x80, s25;
	[sflag:s14] =	ssyncadd.s32 $0xFFFFC180  }
0x8d: {  	[tilespmem:s18], [sflag:$0x2] =	stream.indirect.gather [hbm4b:s1+s16], $0x80, s26, s16, $0xb8;
	[tilespmem:$0x1E400] =	vst v63  }
0x8e: {  	_ =	swait.ge [sflag:s19], $0x3E80  }
0x8f: {  	[sflag:s19] =	ssyncset.done $0x0  }
0x90: {  	s29 =	sadd.s32 $0x1400, s25;
	[sflag:s19] =	ssyncadd.s32 $0xFFFFC180  }
0x91: {  	[spmem:s2] =	stream.indirect.scatter.add.f32 [tilespmem:s17], [sflag:$0x3], $0x80, s29, s16, $0xb8;
	[tilespmem:$0x1E400] =	vst v63  }
0x92: {  	_ =	swait.ge [sflag:s14], $0x3E80  }
0x93: {  	[sflag:s14] =	ssyncset.done $0x0  }
0x94: {  	s30 =	sadd.s32 $0x100, s25;
	[sflag:s14] =	ssyncadd.s32 $0xFFFFC180  }
0x95: {  	[tilespmem:s17], [sflag:$0x1] =	stream.indirect.gather [hbm4b:s1+s16], $0x80, s30, s16, $0xb8;
	[tilespmem:$0x1E400] =	vst v63  }
0x96: {  	_ =	swait.ge [sflag:s20], $0x3E80  }
0x97: {  	[sflag:s20] =	ssyncset.done $0x0  }
0x98: {  	s31 =	sadd.s32 $0x1480, s25;
	[sflag:s20] =	ssyncadd.s32 $0xFFFFC180  }
0x99: {  	[spmem:s2] =	stream.indirect.scatter.add.f32 [tilespmem:s18], [sflag:$0x3], $0x80, s31, s16, $0xb8;
	[tilespmem:$0x1E400] =	vst v63  }
0x9a: {  	_ =	swait.ge [sflag:s14], $0x3E80  }
0x9b: {  	[sflag:s14] =	ssyncset.done $0x0  }
0x9c: {  	[sflag:s14] =	ssyncadd.s32 $0xFFFFC180  }
0x9d: {  	[tilespmem:s18], [sflag:$0x2] =	stream.indirect.gather [hbm4b:s1+s16], $0x80, s21, s16, $0xb8;
	[tilespmem:$0x1E400] =	vst v63  }
0x9e: {  	_ =	swait.ge [sflag:s19], $0x3E80  }
0x9f: {  	[sflag:s19] =	ssyncset.done $0x0  }
0xa0: {  	[sflag:s19] =	ssyncadd.s32 $0xFFFFC180  }
0xa1: {  	[spmem:s2] =	stream.indirect.scatter.add.f32 [tilespmem:s17], [sflag:$0x3], $0x80, s22, s16, $0xb8;
	[tilespmem:$0x1E400] =	vst v63  }
0xa2: {  	_ =	swait.ge [sflag:s14], $0x3E80  }
0xa3: {  	[sflag:s14] =	ssyncset.done $0x0  }
0xa4: {  	[sflag:s14] =	ssyncadd.s32 $0xFFFFC180  }
0xa5: {  	_ =	swait.ge [sflag:s20], $0x3E80  }
0xa6: {  	[sflag:s20] =	ssyncset.done $0x0  }
0xa7: {  	[sflag:s20] =	ssyncadd.s32 $0xFFFFC180  }
0xa8: {  	[spmem:s2] =	stream.indirect.scatter.add.f32 [tilespmem:s18], [sflag:$0x3], $0x80, s23, s16, $0xb8;
	[tilespmem:$0x1E400] =	vst v63  }
0xa9: {  	_ =	swait.ge [sflag:s14], $0x3E80  }
0xaa: {  	s24 =	sadd.s32 $0x1, s24;
	[sflag:s14] =	ssyncset.done $0x0  }
0xab: {  	p0 =	sne.s32 s24, s8;
	[sflag:s14] =	ssyncadd.s32 $0xFFFFC180  }
.Ltmp2:
0xac: {  	[bflag:$0x0] =	sbarrier.arrive $0xFFFF;
	(pc) =	sbr.rel @p0 .LBB2_1-.Ltmp2, $4  }
0xad: {  	[hbm:s7], [sflag:s6] =	dma.local [spmem:s13], $0x2780  }
0xae: {  	_ =	swait.ge [sflag:s14], $0x2780  }
0xaf: {  	[sflag:s14] =	ssyncset.done $0x0  }
0xb0: {  	[sflag:s14] =	ssyncadd.s32 $0xFFFFD880  }
0xb1: {  	_ =	sfence.sel $0x180000  }
0xb2: {  	[bflag:$0x0] =	sbarrier.arrive $0xFFFF  }
0xb3: {  	p0 =	sne.s32 s3, $0x0;
	_ =	strace $0x9000004A  }
0xb4: {  	s0 =	sadd.s32 @!p0 $0x100000, s0;
	[bflag:$0x2] =	sbarrier.arrive $0xFFFF  }
0xb5: {  	[sflag:s0] =	ssyncadd.tile.s32 @!p0 $0x1;
	_ =	shalt  }
.Lfunc_end2:
_tile_overlayer_lowered:
.L_overlay_start_2:
0xb6: {  	(tag) =	ssettag $0x2  }
0xb7: {  	s0 =	rddreg [dreg:$0x0];
	s2 =	stileid.u32  }
0xb8: {  	s1 =	rddreg [dreg:$0x1];
	p0 =	sne.s32 s2, $0x0  }
0xb9: {  	s3 =	rddreg [dreg:$0x2];
	[bflag:$0x3] =	sbarrier.arrive $0xFFFF;
	s2 =	simm.s32 @!p0 $0x1C03  }
0xba: {  	[timem:s3], [sflag:s2] =	dma.local @!p0 [hbm:s0], s1  }
0xbb: {  	s0 =	simm.s32 @!p0 $0x3  }
0xbc: {  	_ =	swait.ge @!p0 [sflag:s0], s1  }
0xbd: {  	s1 =	ssub.s32 @!p0 $0x0, s1;
	[sflag:s0] =	ssyncset.done @!p0 $0x0  }
0xbe: {  	[sflag:s0] =	ssyncadd.s32 @!p0 s1  }
0xbf: {  	[bflag:$0x3] =	sbarrier.arrive $0xFFFF  }
0xc0: {  	_ =	shalt  }

// kernel: kernel.14.cloned.1.call-start
scs
__scs_entry_jumppad:
0x0: {  	(pc) =	sbr.rel $0x88, $3  }
0x1: {  	(tag) =	ssettag $0x0;
	lr =	simm.s32 $0x1  }
0x2: {  	[smem:$0x3F99] =	sst lr;
	_ =	strace $0xD0000000  }
0x3: {  	_ = 	snop  }
0x4: {  	_ = 	snop  }
0x5: {  	_ = 	snop  }
0x6: {  	_ = 	snop  }
0x7: {  	_ = 	snop  }
__scs_overlays_trampoline_lowered:
0x8: {  	[smem:$0x3FA8] =	sst s0  }
0x9: {  	[smem:$0x3FA9] =	sst s1  }
0xa: {  	[smem:$0x3FAA] =	sst s2  }
0xb: {  	[smem:$0x3FAB] =	sst s3  }
0xc: {  	[smem:$0x3FAC] =	sst s4  }
0xd: {  	[smem:$0x3FAD] =	sst s5  }
0xe: {  	[smem:$0x3FAE] =	sst s6  }
0xf: {  	[smem:$0x3FAF] =	sst s7  }
0x10: {  	[smem:$0x3FB0] =	sst s8  }
0x11: {  	[smem:$0x3FB1] =	sst s9;
	s0 =	simm.s32 @!p0 $0x0  }
0x12: {  	s1 =	sld [smem:$0x3F97];
	s0 =	simm.s32 @p0 $0x1  }
0x13: {  	[smem:$0x3FB2] =	sst s0;
	s0 =	simm.s32 @!p1 $0x0  }
0x14: {  	s2 =	sld [smem:$0x3F96];
	s0 =	simm.s32 @p1 $0x1  }
0x15: {  	[smem:$0x3FB3] =	sst s0;
	s0 =	simm.s32 @!p2 $0x0  }
0x16: {  	s3 =	sld [smem:$0x3FDB];
	s0 =	simm.s32 @p2 $0x1  }
0x17: {  	s4 =	simm.s32 $0x1BF5;
	[smem:$0x3FB5] =	sst s0  }
0x18: {  	s0 =	sld [smem:$0x3F98];
	_ =	swait.ge [sflag:s4], $0x0  }
0x19: {  	s7 =	sld [smem:$0x3F99]  }
0x1a: {  	s8 =	sadd.s32 $0xFFFFE003, lr  }
0x1b: {  	s9 =	sadd.s32 $0xFFFFFEF7, lr;
	s5 =	simm.s32 $0xFFFFFFFF;
	p2 =	slt.u32 s8, $0xFFFFF086  }
0x1c: {  	p1 =	slt.u32 s9, $0xF7A;
	s5 =	simm.s32 @!p2 $0x0  }
0x1d: {  	s5 =	simm.s32 @p1 $0x1;
	p0 =	seq.s32 s7, s2  }
0x1e: {  	s7 =	smul.u32 @!p0 $0xF7A, s2;
	p2 =	seq.s32 @!p0 s5, $0x0  }
0x1f: {  	s9 =	smul.u32 $0xF7A, s1;
	s8 =	simm.s32 @!p0 $0x1BF5;
	p2 =	por !p2, p0  }
0x20: {  	[sflag:s8] =	ssyncset.s32 @!p0 $0xFFFFF086;
	s6 =	sadd.s32 @!p0 s3, s7;
	s7 =	simm.s32 @!p0 $0x108  }
0x21: {  	s3 =	sadd.s32 s3, s9;
	s6 =	sadd.s32 @!p0 $0x88, s6;
	s7 =	simm.s32 @p2 $0x1082  }
0x22: {  	[simem:s7], [sflag:s8] =	dma.local @!p0 [hbm:s6], $0xF7A  }
0x23: {  	s9 =	sor.u32 $0xD0000000, s2;
	s6 =	simm.s32 $0x108;
	_ =	swait.ge @!p0 [sflag:s8], $0x0  }
0x24: {  	s3 =	sadd.s32 $0x88, s3;
	s6 =	simm.s32 @!p1 $0x1082;
	[sflag:s4] =	ssyncset.s32 $0xFFFFF086  }
0x25: {  	[simem:s6], [sflag:s4] =	dma.local [hbm:s3], $0xF7A  }
0x26: {  	[smem:$0x3F99] =	sst s1;
	(tag) =	ssettag s2;
	_ =	strace s9  }
0x27: {  	s1 =	sld [smem:$0x3FA9]  }
0x28: {  	s2 =	sld [smem:$0x3FAA]  }
0x29: {  	s4 =	sld [smem:$0x3FAC]  }
0x2a: {  	p0 =	seq.s32 s5, $0x0;
	s5 =	sld [smem:$0x3FAD]  }
0x2b: {  	s6 =	sld [smem:$0x3FAE]  }
0x2c: {  	s7 =	sld [smem:$0x3FAF]  }
0x2d: {  	s3 =	simm.s32 $0x108;
	s8 =	sld [smem:$0x3FB0]  }
0x2e: {  	s3 =	simm.s32 @!p0 $0x1082;
	s9 =	sld [smem:$0x3FB1]  }
0x2f: {  	lr =	sadd.s32 s0, s3;
	s0 =	sld [smem:$0x3FA8]  }
0x30: {  	s3 =	sld [smem:$0x3FAB]  }
0x31: {  	[smem:$0x3FB4] =	sst s10  }
0x32: {  	s10 =	sld [smem:$0x3FB2];
	_ =	sdelay $0x3  }
0x33: {  	p0 =	seq.s32 s10, $0x1;
	s10 =	sld [smem:$0x3FB4];
	_ =	sdelay $0x3  }
0x34: {  	[smem:$0x3FB4] =	sst s10  }
0x35: {  	s10 =	sld [smem:$0x3FB3];
	_ =	sdelay $0x3  }
0x36: {  	p1 =	seq.s32 s10, $0x1;
	s10 =	sld [smem:$0x3FB4];
	_ =	sdelay $0x3  }
0x37: {  	[smem:$0x3FB4] =	sst s10  }
0x38: {  	s10 =	sld [smem:$0x3FB5]  }
0x39: {  	_ = 	snop;
	(pc) =	sbr.ind lr, $3  }
0x3a: {  	_ = 	snop  }
0x3b: {  	_ = 	snop  }
0x3c: {  	p2 =	seq.s32 s10, $0x1;
	s10 =	sld [smem:$0x3FB4]  }
0x3d: {  	_ =	shalt  }
0x3e: {  	_ =	shalt  }
0x3f: {  	_ =	shalt  }
0x40: {  	_ =	shalt  }
0x41: {  	_ =	shalt  }
0x42: {  	_ =	shalt  }
0x43: {  	_ =	shalt  }
0x44: {  	_ =	shalt  }
0x45: {  	_ =	shalt  }
0x46: {  	_ =	shalt  }
0x47: {  	_ =	shalt  }
0x48: {  	_ =	shalt  }
0x49: {  	_ =	shalt  }
0x4a: {  	_ =	shalt  }
0x4b: {  	_ =	shalt  }
0x4c: {  	_ =	shalt  }
0x4d: {  	_ =	shalt  }
0x4e: {  	_ =	shalt  }
0x4f: {  	_ =	shalt  }
0x50: {  	_ =	shalt  }
0x51: {  	_ =	shalt  }
0x52: {  	_ =	shalt  }
0x53: {  	_ =	shalt  }
0x54: {  	_ =	shalt  }
0x55: {  	_ =	shalt  }
0x56: {  	_ =	shalt  }
0x57: {  	_ =	shalt  }
0x58: {  	_ =	shalt  }
0x59: {  	_ =	shalt  }
0x5a: {  	_ =	shalt  }
0x5b: {  	_ =	shalt  }
0x5c: {  	_ =	shalt  }
0x5d: {  	_ =	shalt  }
0x5e: {  	_ =	shalt  }
0x5f: {  	_ =	shalt  }
0x60: {  	_ =	shalt  }
0x61: {  	_ =	shalt  }
0x62: {  	_ =	shalt  }
0x63: {  	_ =	shalt  }
0x64: {  	_ =	shalt  }
0x65: {  	_ =	shalt  }
0x66: {  	_ =	shalt  }
0x67: {  	_ =	shalt  }
0x68: {  	_ =	shalt  }
0x69: {  	_ =	shalt  }
0x6a: {  	_ =	shalt  }
0x6b: {  	_ =	shalt  }
0x6c: {  	_ =	shalt  }
0x6d: {  	_ =	shalt  }
0x6e: {  	_ =	shalt  }
0x6f: {  	_ =	shalt  }
0x70: {  	_ =	shalt  }
0x71: {  	_ =	shalt  }
0x72: {  	_ =	shalt  }
0x73: {  	_ =	shalt  }
0x74: {  	_ =	shalt  }
0x75: {  	_ =	shalt  }
0x76: {  	_ =	shalt  }
0x77: {  	_ =	shalt  }
0x78: {  	_ =	shalt  }
0x79: {  	_ =	shalt  }
0x7a: {  	_ =	shalt  }
0x7b: {  	_ =	shalt  }
0x7c: {  	_ =	shalt  }
0x7d: {  	_ =	shalt  }
0x7e: {  	_ =	shalt  }
0x7f: {  	_ =	shalt  }
0x80: {  	_ =	shalt  }
0x81: {  	_ =	shalt  }
0x82: {  	_ =	shalt  }
0x83: {  	_ =	shalt  }
0x84: {  	_ =	shalt  }
0x85: {  	_ =	shalt  }
0x86: {  	_ =	shalt  }
0x87: {  	_ =	shalt  }
.Lfunc_end0:
.L_simem_size_0:
called_computation.2_lowered:
.L_overlay_start_0:
0x88: {  	s2 =	sld [smem:$0x3FD9]  }
0x89: {  	s3 =	sld [smem:$0x3FFE];
	_ =	sdelay $0x1  }
0x8a: {  	s1 =	srdreg.scid  }
0x8b: {  	s0 =	sand.u32 $0x1, s1  }
0x8c: {  	s17 =	sshll.u32 s0, $0xA;
	s2 =	sadd.s32 s3, s2  }
0x8d: {  	s2 =	sadd.s32 s2, s17  }
0x8e: {  	[smem:$0x3FC0] =	sst s2  }
0x8f: {  	_ = 	snop  }
0x90: {  	s2 =	sld [smem:$0x3FD0];
	(tm) =	ssettm $0x1  }
0x91: {  	s18 =	sld [smem:$0x3FFB];
	_ =	sdelay $0x3  }
0x92: {  	_ =	strace s18  }
0x93: {  	s3 =	sld [smem:$0x3FFC];
	_ =	sdelay $0x3  }
0x94: {  	_ =	strace s3  }
0x95: {  	s3 =	sld [smem:$0x3FFD];
	_ =	sdelay $0x3  }
0x96: {  	_ =	strace s3  }
0x97: {  	_ =	strace $0x8FFFFFFF  }
0x98: {  	s19 =	sld [smem:$0x3FDB];
	_ =	sdelay $0x1  }
0x99: {  	s4 =	simm.s32 $_scs_section_size  }
0x9a: {  	s5 =	simm.s32 $_size__tile_overlayer_lowered;
	s6 =	simm.s32 $_tile_overlayer_lowered  }
0x9b: {  	s22 =	simm.s32 $0x1BFF;
	s21 =	sshll.u32 s6, $0x1;
	s3 =	sadd.s32 s4, s19  }
0x9c: {  	s7 =	simm.s32 $0x0;
	s20 =	sshll.u32 s5, $0x1;
	s5 =	sadd.s32 s21, s3  }
0x9d: {  	[timem:s7], [sflag:s22] =	dma.local [hbm:s5], s20  }
0x9e: {  	_ =	swait.ge [sflag:s22], s20  }
0x9f: {  	s4 =	ssub.s32 $0x0, s20;
	[sflag:s22] =	ssyncset.done $0x0  }
0xa0: {  	[sflag:s22] =	ssyncadd.s32 s4;
	_ =	sdelay $0x1  }
0xa1: {  	s23 =	simm.s32 $0x1B8B  }
0xa2: {  	_ =	swait.ge [sflag:s23], $0x1  }
0xa3: {  	[sflag:s23] =	ssyncset.done $0x0  }
0xa4: {  	s25 =	simm.s32 $0x1B8E;
	s24 =	sld [smem:$0x3FFE];
	[sflag:s23] =	ssyncadd.s32 $0xFFFFFFFF  }
0xa5: {  	s26 =	simm.s32 $execute0_lowered;
	[smem:$0x3FD2] =	sst s25  }
0xa6: {  	s5 =	sshll.u32 s26, $0x1;
	_ =	strace $0x8000004C;
	[dreg:$0x1] =	wrdreg $0xFFFFFFFF  }
0xa7: {  	s28 =	simm.s32 $_size_execute0_lowered;
	s3 =	sadd.s32 s3, s5;
	[dreg:$0x0] =	wrdreg $0x0  }
0xa8: {  	s5 =	sshll.u32 s28, $0x1;
	[dreg:$0x2] =	wrdreg s3  }
0xa9: {  	[dreg:$0x3] =	wrdreg s5  }
0xaa: {  	[dreg:$0x4] =	wrdreg $0xC0  }
0xab: {  	_ =	task [dreg:s7], $0x5FFFF  }
0xac: {  	[dreg:$0x1] =	wrdreg $0xFFFFFFFF  }
0xad: {  	[dreg:$0x0] =	wrdreg $0x60  }
0xae: {  	[dreg:$0x2] =	wrdreg s24  }
0xaf: {  	[dreg:$0x3] =	wrdreg s2  }
0xb0: {  	[dreg:$0x4] =	wrdreg $0xA8000  }
0xb1: {  	[dreg:$0x5] =	wrdreg $0x9  }
0xb2: {  	_ =	task.clear_ibuf [dreg:s7], $0x6FFFF;
	_ =	strace $0x9000004C  }
0xb3: {  	s29 =	simm.s32 $0x9;
	_ =	strace $0x8000004E  }
0xb4: {  	_ =	swait.ge [sflag:s29], $0x1  }
0xb5: {  	[sflag:s29] =	ssyncadd.s32 $0xFFFFFFFF  }
0xb6: {  	_ =	strace $0x9000004E  }
0xb7: {  	_ =	sfence  }
0xb8: {  	s30 =	sld [smem:$0x0];
	_ =	sdelay $0x2  }
0xb9: {  	s31 =	sshll.u32 s1, $0xD;
	s1 =	sshrl.u32 s1, $0x2  }
0xba: {  	s3 =	sand.u32 $0x4000, s31;
	s1 =	sadd.s32 s1, s30  }
0xbb: {  	s0 =	sor.u32 s3, s0;
	s1 =	sshll.u32 s1, $0x11  }
0xbc: {  	s0 =	sor.u32 s1, s0  }
0xbd: {  	s0 =	sadd.s32 $0x8F2B, s0  }
0xbe: {  	[sflag:s0] =	ssyncadd.remote.s32 $0x1  }
0xbf: {  	_ =	sfence.sel $0xFFFF  }
0xc0: {  	[dreg:$0x0] =	wrdreg $0xFFFFFFFF;
	(pc) =	sbr.abs _section_cstart, $3  }
0xc1: {  	[dreg:$0x1] =	wrdreg $0xFFFFFFFF  }
0xc2: {  	_ =	task.clear_ibuf [dreg:s7], $0x2FFFF;
	_ =	strace $0x9FFFFFFF  }
0xc3: {  	(tm) =	ssettm $0x7FFFFFFF  }
tec
execute0_lowered:
.L_overlay_start_1:
0x0: {  	(tag) =	ssettag $0x1  }
0x1: {  	s6 =	rddreg [dreg:$0x0]  }
0x2: {  	s1 =	rddreg [dreg:$0x1]  }
0x3: {  	s2 =	rddreg [dreg:$0x2]  }
0x4: {  	s3 =	srdreg.scid;
	s0 =	rddreg [dreg:$0x3];
	s4 =	simm.s32 $0x0  }
0x5: {  	s16 =	simm.s32 $0x7D;
	s17 =	simm.s32 $0x2800;
	s18 =	simm.s32 $0x6800  }
0x6: {  	s19 =	simm.s32 $0x1;
	s20 =	simm.s32 $0x2;
	s21 =	simm.s32 $0x1380  }
0x7: {  	s22 =	simm.s32 $0x2700;
	s23 =	simm.s32 $0x2780;
	s24 =	simm.s32 $0x0  }
0x8: {  	s7 =	sand.u32 $0x1, s3;
	s3 =	stileid.u32;
	[smem:$0x7FF] =	sst s4  }
0x9: {  	s11 =	sadd.s32 $0xDC00, s6;
	s12 =	sadd.s32 $0x3C00, s6;
	s5 =	smul.u32 $0x13C000, s7  }
0xa: {  	s8 =	smul.u32 $0x13C00, s3;
	_ =	strace $0x8000004D;
	s9 =	ssub.s32 $0x2, s7  }
0xb: {  	s13 =	sshll.u32 s3, $0x1;
	s14 =	smul.u32 $0x4F000, s3;
	s31 =	sshll.u32 s3, $0x6  }
0xc: {  	s10 =	sshrl.u32 s9, $0x1;
	s29 =	sor.u32 s7, s13;
	s8 =	sadd.s32 s8, s5  }
0xd: {  	s5 =	sadd.s32 $0x17C00, s6;
	s30 =	sshrl.u32 s14, $0x2;
	s13 =	smul.u32 $0x500, s29  }
0xe: {  	s9 =	ssub.s32 s9, s10;
	s8 =	sshrl.u32 s8, $0x3;
	s14 =	sadd.s32 s30, s2  }
0xf: {  	s8 =	sadd.s32 s8, s6;
	s6 =	sor.u32 $0x1C03, s31;
	s15 =	sadd.s32 $0x280, s13  }
0x10: {  	s10 =	sadd.s32 s12, s13;
	s7 =	sadd.s32 $0x1A400, s8;
	s8 =	smax.u32 s9, $0x1  }
0x11: {  	s9 =	sadd.s32 s11, s13;
	s11 =	sadd.s32 s11, s15;
	s12 =	sadd.s32 s12, s15  }
0x12: {  	s13 =	sshrl.u32 s14, $0x3;
	s14 =	simm.s32 $0x3;
	s15 =	simm.s32 $0x1400  }
.LBB2_1:
0x13: {  	[spmem:s13], [sflag:s6] =	dma.local [hbm:s5], $0x2780  }
0x14: {  	_ =	swait.ge [sflag:s14], $0x2780  }
0x15: {  	[sflag:s14] =	ssyncset.done $0x0  }
0x16: {  	[sflag:s14] =	ssyncadd.s32 $0xFFFFD880  }
0x17: {  	[bflag:$0x0] =	sbarrier.arrive $0xFFFF  }
0x18: {  	[tilespmem:s4], [sflag:$0x3] =	stream.linear.gather [hbm4b:s9+s4], $0x1400, $0x38;
	[tilespmem:$0x1E400] =	vst v63  }
0x19: {  	_ =	swait.ge [sflag:s14], $0x1400  }
0x1a: {  	[sflag:s14] =	ssyncset.done $0x0  }
0x1b: {  	[sflag:s14] =	ssyncadd.s32 $0xFFFFEC00  }
0x1c: {  	[tilespmem:s15], [sflag:$0x3] =	stream.linear.gather [hbm4b:s10+s4], $0x1400, $0x38;
	[tilespmem:$0x1E400] =	vst v63  }
0x1d: {  	_ =	swait.ge [sflag:s14], $0x1400  }
0x1e: {  	[sflag:s14] =	ssyncset.done $0x0  }
0x1f: {  	[sflag:s14] =	ssyncadd.s32 $0xFFFFEC00  }
0x20: {  	[tilespmem:s17], [sflag:$0x1] =	stream.indirect.gather [hbm4b:s1+s16], $0x80, s4, s16, $0xb8;
	[tilespmem:$0x1E400] =	vst v63  }
0x21: {  	s25 =	simm.s32 $0x80  }
0x22: {  	[tilespmem:s18], [sflag:$0x2] =	stream.indirect.gather [hbm4b:s1+s16], $0x80, s25, s16, $0xb8;
	[tilespmem:$0x1E400] =	vst v63  }
0x23: {  	_ =	swait.ge [sflag:s19], $0x3E80  }
0x24: {  	[sflag:s19] =	ssyncset.done $0x0  }
0x25: {  	s29 =	simm.s32 $0x1400;
	[sflag:s19] =	ssyncadd.s32 $0xFFFFC180  }
0x26: {  	[spmem:s2] =	stream.indirect.scatter.add.f32 [tilespmem:s17], [sflag:$0x3], $0x80, s29, s16, $0xb8;
	[tilespmem:$0x1E400] =	vst v63  }
0x27: {  	_ =	swait.ge [sflag:s14], $0x3E80  }
0x28: {  	[sflag:s14] =	ssyncset.done $0x0  }
0x29: {  	s30 =	simm.s32 $0x100;
	[sflag:s14] =	ssyncadd.s32 $0xFFFFC180  }
0x2a: {  	[tilespmem:s17], [sflag:$0x1] =	stream.indirect.gather [hbm4b:s1+s16], $0x80, s30, s16, $0xb8;
	[tilespmem:$0x1E400] =	vst v63  }
0x2b: {  	_ =	swait.ge [sflag:s20], $0x3E80  }
0x2c: {  	[sflag:s20] =	ssyncset.done $0x0  }
0x2d: {  	s31 =	simm.s32 $0x1480;
	[sflag:s20] =	ssyncadd.s32 $0xFFFFC180  }
0x2e: {  	[spmem:s2] =	stream.indirect.scatter.add.f32 [tilespmem:s18], [sflag:$0x3], $0x80, s31, s16, $0xb8;
	[tilespmem:$0x1E400] =	vst v63  }
0x2f: {  	_ =	swait.ge [sflag:s14], $0x3E80  }
0x30: {  	s26 =	simm.s32 $0x800;
	s25 =	simm.s32 $0x100;
	[sflag:s14] =	ssyncset.done $0x0  }
.LBB2_2:
0x31: {  	s28 =	sadd.s32 $0x80, s25  }
0x32: {  	[sflag:s14] =	ssyncadd.s32 $0xFFFFC180;
	s29 =	smov.u32 s26;
	s30 =	sadd.s32 $0x400, s26  }
0x33: {  	[tilespmem:s18], [sflag:$0x2] =	stream.indirect.gather [hbm4b:s1+s16], $0x80, s28, s16, $0xb8;
	[tilespmem:$0x1E400] =	vst v63  }
0x34: {  	p0 =	sne.s32 s26, $0x4800;
	_ =	swait.ge [sflag:s19], $0x3E80  }
0x35: {  	[sflag:s19] =	ssyncset.done $0x0  }
0x36: {  	s26 =	sadd.s32 $0x1400, s25;
	[sflag:s19] =	ssyncadd.s32 $0xFFFFC180  }
0x37: {  	[spmem:s2] =	stream.indirect.scatter.add.f32 [tilespmem:s17], [sflag:$0x3], $0x80, s26, s16, $0xb8;
	[tilespmem:$0x1E400] =	vst v63  }
0x38: {  	_ =	swait.ge [sflag:s14], $0x3E80  }
0x39: {  	[sflag:s14] =	ssyncset.done $0x0  }
0x3a: {  	s26 =	sadd.s32 $0x100, s25;
	[sflag:s14] =	ssyncadd.s32 $0xFFFFC180  }
0x3b: {  	[tilespmem:s17], [sflag:$0x1] =	stream.indirect.gather [hbm4b:s1+s16], $0x80, s26, s16, $0xb8;
	[tilespmem:$0x1E400] =	vst v63  }
0x3c: {  	_ =	swait.ge [sflag:s20], $0x3E80  }
.Ltmp0:
0x3d: {  	[sflag:s20] =	ssyncset.done $0x0;
	(pc) =	sbr.rel @p0 .LBB2_2-.Ltmp0, $4  }
0x3e: {  	s25 =	sadd.s32 $0x1480, s25;
	[sflag:s20] =	ssyncadd.s32 $0xFFFFC180  }
0x3f: {  	[spmem:s2] =	stream.indirect.scatter.add.f32 [tilespmem:s18], [sflag:$0x3], $0x80, s25, s16, $0xb8;
	[tilespmem:$0x1E400] =	vst v63  }
0x40: {  	_ =	swait.ge [sflag:s14], $0x3E80  }
0x41: {  	s26 =	smov.u32 s30;
	s25 =	sshra.s32 s29, $0x2;
	[sflag:s14] =	ssyncset.done $0x0  }
0x42: {  	s26 =	sadd.s32 $0x80, s25;
	[sflag:s14] =	ssyncadd.s32 $0xFFFFC180  }
0x43: {  	[tilespmem:s18], [sflag:$0x2] =	stream.indirect.gather [hbm4b:s1+s16], $0x80, s26, s16, $0xb8;
	[tilespmem:$0x1E400] =	vst v63  }
0x44: {  	_ =	swait.ge [sflag:s19], $0x3E80  }
0x45: {  	[sflag:s19] =	ssyncset.done $0x0  }
0x46: {  	s29 =	sadd.s32 $0x1400, s25;
	[sflag:s19] =	ssyncadd.s32 $0xFFFFC180  }
0x47: {  	[spmem:s2] =	stream.indirect.scatter.add.f32 [tilespmem:s17], [sflag:$0x3], $0x80, s29, s16, $0xb8;
	[tilespmem:$0x1E400] =	vst v63  }
0x48: {  	_ =	swait.ge [sflag:s14], $0x3E80  }
0x49: {  	[sflag:s14] =	ssyncset.done $0x0  }
0x4a: {  	s30 =	sadd.s32 $0x100, s25;
	[sflag:s14] =	ssyncadd.s32 $0xFFFFC180  }
0x4b: {  	[tilespmem:s17], [sflag:$0x1] =	stream.indirect.gather [hbm4b:s1+s16], $0x80, s30, s16, $0xb8;
	[tilespmem:$0x1E400] =	vst v63  }
0x4c: {  	_ =	swait.ge [sflag:s20], $0x3E80  }
0x4d: {  	[sflag:s20] =	ssyncset.done $0x0  }
0x4e: {  	s31 =	sadd.s32 $0x1480, s25;
	[sflag:s20] =	ssyncadd.s32 $0xFFFFC180  }
0x4f: {  	[spmem:s2] =	stream.indirect.scatter.add.f32 [tilespmem:s18], [sflag:$0x3], $0x80, s31, s16, $0xb8;
	[tilespmem:$0x1E400] =	vst v63  }
0x50: {  	_ =	swait.ge [sflag:s14], $0x3E80  }
0x51: {  	[sflag:s14] =	ssyncset.done $0x0  }
0x52: {  	[sflag:s14] =	ssyncadd.s32 $0xFFFFC180  }
0x53: {  	[tilespmem:s18], [sflag:$0x2] =	stream.indirect.gather [hbm4b:s1+s16], $0x80, s21, s16, $0xb8;
	[tilespmem:$0x1E400] =	vst v63  }
0x54: {  	_ =	swait.ge [sflag:s19], $0x3E80  }
0x55: {  	[sflag:s19] =	ssyncset.done $0x0  }
0x56: {  	[sflag:s19] =	ssyncadd.s32 $0xFFFFC180  }
0x57: {  	[spmem:s2] =	stream.indirect.scatter.add.f32 [tilespmem:s17], [sflag:$0x3], $0x80, s22, s16, $0xb8;
	[tilespmem:$0x1E400] =	vst v63  }
0x58: {  	_ =	swait.ge [sflag:s14], $0x3E80  }
0x59: {  	[sflag:s14] =	ssyncset.done $0x0  }
0x5a: {  	[sflag:s14] =	ssyncadd.s32 $0xFFFFC180  }
0x5b: {  	_ =	swait.ge [sflag:s20], $0x3E80  }
0x5c: {  	[sflag:s20] =	ssyncset.done $0x0  }
0x5d: {  	[sflag:s20] =	ssyncadd.s32 $0xFFFFC180  }
0x5e: {  	[spmem:s2] =	stream.indirect.scatter.add.f32 [tilespmem:s18], [sflag:$0x3], $0x80, s23, s16, $0xb8;
	[tilespmem:$0x1E400] =	vst v63  }
0x5f: {  	_ =	swait.ge [sflag:s14], $0x3E80  }
0x60: {  	[sflag:s14] =	ssyncset.done $0x0  }
0x61: {  	s26 =	simm.s32 $0x0;
	[sflag:s14] =	ssyncadd.s32 $0xFFFFC180  }
0x62: {  	[tilespmem:s26], [sflag:$0x3] =	stream.linear.gather [hbm4b:s11+s26], $0x1400, $0x38;
	[tilespmem:$0x1E400] =	vst v63  }
0x63: {  	_ =	swait.ge [sflag:s14], $0x1400  }
0x64: {  	[sflag:s14] =	ssyncset.done $0x0  }
0x65: {  	[sflag:s14] =	ssyncadd.s32 $0xFFFFEC00  }
0x66: {  	[tilespmem:s15], [sflag:$0x3] =	stream.linear.gather [hbm4b:s12+s26], $0x1400, $0x38;
	[tilespmem:$0x1E400] =	vst v63  }
0x67: {  	_ =	swait.ge [sflag:s14], $0x1400  }
0x68: {  	[sflag:s14] =	ssyncset.done $0x0  }
0x69: {  	[sflag:s14] =	ssyncadd.s32 $0xFFFFEC00  }
0x6a: {  	[tilespmem:s17], [sflag:$0x1] =	stream.indirect.gather [hbm4b:s1+s16], $0x80, s26, s16, $0xb8;
	[tilespmem:$0x1E400] =	vst v63  }
0x6b: {  	s28 =	simm.s32 $0x80  }
0x6c: {  	[tilespmem:s18], [sflag:$0x2] =	stream.indirect.gather [hbm4b:s1+s16], $0x80, s28, s16, $0xb8;
	[tilespmem:$0x1E400] =	vst v63  }
0x6d: {  	_ =	swait.ge [sflag:s19], $0x3E80  }
0x6e: {  	[sflag:s19] =	ssyncset.done $0x0  }
0x6f: {  	s29 =	simm.s32 $0x1400;
	[sflag:s19] =	ssyncadd.s32 $0xFFFFC180  }
0x70: {  	[spmem:s2] =	stream.indirect.scatter.add.f32 [tilespmem:s17], [sflag:$0x3], $0x80, s29, s16, $0xb8;
	[tilespmem:$0x1E400] =	vst v63  }
0x71: {  	_ =	swait.ge [sflag:s14], $0x3E80  }
0x72: {  	[sflag:s14] =	ssyncset.done $0x0  }
0x73: {  	s30 =	simm.s32 $0x100;
	[sflag:s14] =	ssyncadd.s32 $0xFFFFC180  }
0x74: {  	[tilespmem:s17], [sflag:$0x1] =	stream.indirect.gather [hbm4b:s1+s16], $0x80, s30, s16, $0xb8;
	[tilespmem:$0x1E400] =	vst v63  }
0x75: {  	_ =	swait.ge [sflag:s20], $0x3E80  }
0x76: {  	[sflag:s20] =	ssyncset.done $0x0  }
0x77: {  	s31 =	simm.s32 $0x1480;
	[sflag:s20] =	ssyncadd.s32 $0xFFFFC180  }
0x78: {  	[spmem:s2] =	stream.indirect.scatter.add.f32 [tilespmem:s18], [sflag:$0x3], $0x80, s31, s16, $0xb8;
	[tilespmem:$0x1E400] =	vst v63  }
0x79: {  	_ =	swait.ge [sflag:s14], $0x3E80  }
0x7a: {  	s25 =	simm.s32 $0x100;
	s26 =	simm.s32 $0x800;
	[sflag:s14] =	ssyncset.done $0x0  }
.LBB2_4:
0x7b: {  	s28 =	sadd.s32 $0x80, s25  }
0x7c: {  	[sflag:s14] =	ssyncadd.s32 $0xFFFFC180;
	s29 =	smov.u32 s26;
	s30 =	sadd.s32 $0x400, s26  }
0x7d: {  	[tilespmem:s18], [sflag:$0x2] =	stream.indirect.gather [hbm4b:s1+s16], $0x80, s28, s16, $0xb8;
	[tilespmem:$0x1E400] =	vst v63  }
0x7e: {  	p0 =	sne.s32 s26, $0x4800;
	_ =	swait.ge [sflag:s19], $0x3E80  }
0x7f: {  	[sflag:s19] =	ssyncset.done $0x0  }
0x80: {  	s26 =	sadd.s32 $0x1400, s25;
	[sflag:s19] =	ssyncadd.s32 $0xFFFFC180  }
0x81: {  	[spmem:s2] =	stream.indirect.scatter.add.f32 [tilespmem:s17], [sflag:$0x3], $0x80, s26, s16, $0xb8;
	[tilespmem:$0x1E400] =	vst v63  }
0x82: {  	_ =	swait.ge [sflag:s14], $0x3E80  }
0x83: {  	[sflag:s14] =	ssyncset.done $0x0  }
0x84: {  	s26 =	sadd.s32 $0x100, s25;
	[sflag:s14] =	ssyncadd.s32 $0xFFFFC180  }
0x85: {  	[tilespmem:s17], [sflag:$0x1] =	stream.indirect.gather [hbm4b:s1+s16], $0x80, s26, s16, $0xb8;
	[tilespmem:$0x1E400] =	vst v63  }
0x86: {  	_ =	swait.ge [sflag:s20], $0x3E80  }
.Ltmp1:
0x87: {  	[sflag:s20] =	ssyncset.done $0x0;
	(pc) =	sbr.rel @p0 .LBB2_4-.Ltmp1, $4  }
0x88: {  	s25 =	sadd.s32 $0x1480, s25;
	[sflag:s20] =	ssyncadd.s32 $0xFFFFC180  }
0x89: {  	[spmem:s2] =	stream.indirect.scatter.add.f32 [tilespmem:s18], [sflag:$0x3], $0x80, s25, s16, $0xb8;
	[tilespmem:$0x1E400] =	vst v63  }
0x8a: {  	_ =	swait.ge [sflag:s14], $0x3E80  }
0x8b: {  	s26 =	smov.u32 s30;
	s25 =	sshra.s32 s29, $0x2;
	[sflag:s14] =	ssyncset.done $0x0  }
0x8c: {  	s26 =	sadd.s32 $0x80, s25;
	[sflag:s14] =	ssyncadd.s32 $0xFFFFC180  }
0x8d: {  	[tilespmem:s18], [sflag:$0x2] =	stream.indirect.gather [hbm4b:s1+s16], $0x80, s26, s16, $0xb8;
	[tilespmem:$0x1E400] =	vst v63  }
0x8e: {  	_ =	swait.ge [sflag:s19], $0x3E80  }
0x8f: {  	[sflag:s19] =	ssyncset.done $0x0  }
0x90: {  	s29 =	sadd.s32 $0x1400, s25;
	[sflag:s19] =	ssyncadd.s32 $0xFFFFC180  }
0x91: {  	[spmem:s2] =	stream.indirect.scatter.add.f32 [tilespmem:s17], [sflag:$0x3], $0x80, s29, s16, $0xb8;
	[tilespmem:$0x1E400] =	vst v63  }
0x92: {  	_ =	swait.ge [sflag:s14], $0x3E80  }
0x93: {  	[sflag:s14] =	ssyncset.done $0x0  }
0x94: {  	s30 =	sadd.s32 $0x100, s25;
	[sflag:s14] =	ssyncadd.s32 $0xFFFFC180  }
0x95: {  	[tilespmem:s17], [sflag:$0x1] =	stream.indirect.gather [hbm4b:s1+s16], $0x80, s30, s16, $0xb8;
	[tilespmem:$0x1E400] =	vst v63  }
0x96: {  	_ =	swait.ge [sflag:s20], $0x3E80  }
0x97: {  	[sflag:s20] =	ssyncset.done $0x0  }
0x98: {  	s31 =	sadd.s32 $0x1480, s25;
	[sflag:s20] =	ssyncadd.s32 $0xFFFFC180  }
0x99: {  	[spmem:s2] =	stream.indirect.scatter.add.f32 [tilespmem:s18], [sflag:$0x3], $0x80, s31, s16, $0xb8;
	[tilespmem:$0x1E400] =	vst v63  }
0x9a: {  	_ =	swait.ge [sflag:s14], $0x3E80  }
0x9b: {  	[sflag:s14] =	ssyncset.done $0x0  }
0x9c: {  	[sflag:s14] =	ssyncadd.s32 $0xFFFFC180  }
0x9d: {  	[tilespmem:s18], [sflag:$0x2] =	stream.indirect.gather [hbm4b:s1+s16], $0x80, s21, s16, $0xb8;
	[tilespmem:$0x1E400] =	vst v63  }
0x9e: {  	_ =	swait.ge [sflag:s19], $0x3E80  }
0x9f: {  	[sflag:s19] =	ssyncset.done $0x0  }
0xa0: {  	[sflag:s19] =	ssyncadd.s32 $0xFFFFC180  }
0xa1: {  	[spmem:s2] =	stream.indirect.scatter.add.f32 [tilespmem:s17], [sflag:$0x3], $0x80, s22, s16, $0xb8;
	[tilespmem:$0x1E400] =	vst v63  }
0xa2: {  	_ =	swait.ge [sflag:s14], $0x3E80  }
0xa3: {  	[sflag:s14] =	ssyncset.done $0x0  }
0xa4: {  	[sflag:s14] =	ssyncadd.s32 $0xFFFFC180  }
0xa5: {  	_ =	swait.ge [sflag:s20], $0x3E80  }
0xa6: {  	[sflag:s20] =	ssyncset.done $0x0  }
0xa7: {  	[sflag:s20] =	ssyncadd.s32 $0xFFFFC180  }
0xa8: {  	[spmem:s2] =	stream.indirect.scatter.add.f32 [tilespmem:s18], [sflag:$0x3], $0x80, s23, s16, $0xb8;
	[tilespmem:$0x1E400] =	vst v63  }
0xa9: {  	_ =	swait.ge [sflag:s14], $0x3E80  }
0xaa: {  	s24 =	sadd.s32 $0x1, s24;
	[sflag:s14] =	ssyncset.done $0x0  }
0xab: {  	p0 =	sne.s32 s24, s8;
	[sflag:s14] =	ssyncadd.s32 $0xFFFFC180  }
.Ltmp2:
0xac: {  	[bflag:$0x0] =	sbarrier.arrive $0xFFFF;
	(pc) =	sbr.rel @p0 .LBB2_1-.Ltmp2, $4  }
0xad: {  	[hbm:s7], [sflag:s6] =	dma.local [spmem:s13], $0x2780  }
0xae: {  	_ =	swait.ge [sflag:s14], $0x2780  }
0xaf: {  	[sflag:s14] =	ssyncset.done $0x0  }
0xb0: {  	[sflag:s14] =	ssyncadd.s32 $0xFFFFD880  }
0xb1: {  	_ =	sfence.sel $0x180000  }
0xb2: {  	[bflag:$0x0] =	sbarrier.arrive $0xFFFF  }
0xb3: {  	p0 =	sne.s32 s3, $0x0;
	_ =	strace $0x9000004D  }
0xb4: {  	s0 =	sadd.s32 @!p0 $0x100000, s0;
	[bflag:$0x2] =	sbarrier.arrive $0xFFFF  }
0xb5: {  	[sflag:s0] =	ssyncadd.tile.s32 @!p0 $0x1;
	_ =	shalt  }
.Lfunc_end2:
_tile_overlayer_lowered:
.L_overlay_start_2:
0xb6: {  	(tag) =	ssettag $0x2  }
0xb7: {  	s0 =	rddreg [dreg:$0x0];
	s2 =	stileid.u32  }
0xb8: {  	s1 =	rddreg [dreg:$0x1];
	p0 =	sne.s32 s2, $0x0  }
0xb9: {  	s3 =	rddreg [dreg:$0x2];
	[bflag:$0x3] =	sbarrier.arrive $0xFFFF;
	s2 =	simm.s32 @!p0 $0x1C03  }
0xba: {  	[timem:s3], [sflag:s2] =	dma.local @!p0 [hbm:s0], s1  }
0xbb: {  	s0 =	simm.s32 @!p0 $0x3  }
0xbc: {  	_ =	swait.ge @!p0 [sflag:s0], s1  }
0xbd: {  	s1 =	ssub.s32 @!p0 $0x0, s1;
	[sflag:s0] =	ssyncset.done @!p0 $0x0  }
0xbe: {  	[sflag:s0] =	ssyncadd.s32 @!p0 s1  }
0xbf: {  	[bflag:$0x3] =	sbarrier.arrive $0xFFFF  }
0xc0: {  	_ =	shalt  }

// kernel: kernel.8.cloned.1.call-start
scs
__scs_entry_jumppad:
0x0: {  	(pc) =	sbr.rel $0x88, $3  }
0x1: {  	(tag) =	ssettag $0x0;
	lr =	simm.s32 $0x1  }
0x2: {  	[smem:$0x3F99] =	sst lr;
	_ =	strace $0xD0000000  }
0x3: {  	_ = 	snop  }
0x4: {  	_ = 	snop  }
0x5: {  	_ = 	snop  }
0x6: {  	_ = 	snop  }
0x7: {  	_ = 	snop  }
__scs_overlays_trampoline_lowered:
0x8: {  	[smem:$0x3FA8] =	sst s0  }
0x9: {  	[smem:$0x3FA9] =	sst s1  }
0xa: {  	[smem:$0x3FAA] =	sst s2  }
0xb: {  	[smem:$0x3FAB] =	sst s3  }
0xc: {  	[smem:$0x3FAC] =	sst s4  }
0xd: {  	[smem:$0x3FAD] =	sst s5  }
0xe: {  	[smem:$0x3FAE] =	sst s6  }
0xf: {  	[smem:$0x3FAF] =	sst s7  }
0x10: {  	[smem:$0x3FB0] =	sst s8  }
0x11: {  	[smem:$0x3FB1] =	sst s9;
	s0 =	simm.s32 @!p0 $0x0  }
0x12: {  	s1 =	sld [smem:$0x3F97];
	s0 =	simm.s32 @p0 $0x1  }
0x13: {  	[smem:$0x3FB2] =	sst s0;
	s0 =	simm.s32 @!p1 $0x0  }
0x14: {  	s2 =	sld [smem:$0x3F96];
	s0 =	simm.s32 @p1 $0x1  }
0x15: {  	[smem:$0x3FB3] =	sst s0;
	s0 =	simm.s32 @!p2 $0x0  }
0x16: {  	s3 =	sld [smem:$0x3FDB];
	s0 =	simm.s32 @p2 $0x1  }
0x17: {  	s4 =	simm.s32 $0x1BF5;
	[smem:$0x3FB5] =	sst s0  }
0x18: {  	s0 =	sld [smem:$0x3F98];
	_ =	swait.ge [sflag:s4], $0x0  }
0x19: {  	s7 =	sld [smem:$0x3F99]  }
0x1a: {  	s8 =	sadd.s32 $0xFFFFE003, lr  }
0x1b: {  	s9 =	sadd.s32 $0xFFFFFEF7, lr;
	s5 =	simm.s32 $0xFFFFFFFF;
	p2 =	slt.u32 s8, $0xFFFFF086  }
0x1c: {  	p1 =	slt.u32 s9, $0xF7A;
	s5 =	simm.s32 @!p2 $0x0  }
0x1d: {  	s5 =	simm.s32 @p1 $0x1;
	p0 =	seq.s32 s7, s2  }
0x1e: {  	s7 =	smul.u32 @!p0 $0xF7A, s2;
	p2 =	seq.s32 @!p0 s5, $0x0  }
0x1f: {  	s9 =	smul.u32 $0xF7A, s1;
	s8 =	simm.s32 @!p0 $0x1BF5;
	p2 =	por !p2, p0  }
0x20: {  	[sflag:s8] =	ssyncset.s32 @!p0 $0xFFFFF086;
	s6 =	sadd.s32 @!p0 s3, s7;
	s7 =	simm.s32 @!p0 $0x108  }
0x21: {  	s3 =	sadd.s32 s3, s9;
	s6 =	sadd.s32 @!p0 $0x88, s6;
	s7 =	simm.s32 @p2 $0x1082  }
0x22: {  	[simem:s7], [sflag:s8] =	dma.local @!p0 [hbm:s6], $0xF7A  }
0x23: {  	s9 =	sor.u32 $0xD0000000, s2;
	s6 =	simm.s32 $0x108;
	_ =	swait.ge @!p0 [sflag:s8], $0x0  }
0x24: {  	s3 =	sadd.s32 $0x88, s3;
	s6 =	simm.s32 @!p1 $0x1082;
	[sflag:s4] =	ssyncset.s32 $0xFFFFF086  }
0x25: {  	[simem:s6], [sflag:s4] =	dma.local [hbm:s3], $0xF7A  }
0x26: {  	[smem:$0x3F99] =	sst s1;
	(tag) =	ssettag s2;
	_ =	strace s9  }
0x27: {  	s1 =	sld [smem:$0x3FA9]  }
0x28: {  	s2 =	sld [smem:$0x3FAA]  }
0x29: {  	s4 =	sld [smem:$0x3FAC]  }
0x2a: {  	p0 =	seq.s32 s5, $0x0;
	s5 =	sld [smem:$0x3FAD]  }
0x2b: {  	s6 =	sld [smem:$0x3FAE]  }
0x2c: {  	s7 =	sld [smem:$0x3FAF]  }
0x2d: {  	s3 =	simm.s32 $0x108;
	s8 =	sld [smem:$0x3FB0]  }
0x2e: {  	s3 =	simm.s32 @!p0 $0x1082;
	s9 =	sld [smem:$0x3FB1]  }
0x2f: {  	lr =	sadd.s32 s0, s3;
	s0 =	sld [smem:$0x3FA8]  }
0x30: {  	s3 =	sld [smem:$0x3FAB]  }
0x31: {  	[smem:$0x3FB4] =	sst s10  }
0x32: {  	s10 =	sld [smem:$0x3FB2];
	_ =	sdelay $0x3  }
0x33: {  	p0 =	seq.s32 s10, $0x1;
	s10 =	sld [smem:$0x3FB4];
	_ =	sdelay $0x3  }
0x34: {  	[smem:$0x3FB4] =	sst s10  }
0x35: {  	s10 =	sld [smem:$0x3FB3];
	_ =	sdelay $0x3  }
0x36: {  	p1 =	seq.s32 s10, $0x1;
	s10 =	sld [smem:$0x3FB4];
	_ =	sdelay $0x3  }
0x37: {  	[smem:$0x3FB4] =	sst s10  }
0x38: {  	s10 =	sld [smem:$0x3FB5]  }
0x39: {  	_ = 	snop;
	(pc) =	sbr.ind lr, $3  }
0x3a: {  	_ = 	snop  }
0x3b: {  	_ = 	snop  }
0x3c: {  	p2 =	seq.s32 s10, $0x1;
	s10 =	sld [smem:$0x3FB4]  }
0x3d: {  	_ =	shalt  }
0x3e: {  	_ =	shalt  }
0x3f: {  	_ =	shalt  }
0x40: {  	_ =	shalt  }
0x41: {  	_ =	shalt  }
0x42: {  	_ =	shalt  }
0x43: {  	_ =	shalt  }
0x44: {  	_ =	shalt  }
0x45: {  	_ =	shalt  }
0x46: {  	_ =	shalt  }
0x47: {  	_ =	shalt  }
0x48: {  	_ =	shalt  }
0x49: {  	_ =	shalt  }
0x4a: {  	_ =	shalt  }
0x4b: {  	_ =	shalt  }
0x4c: {  	_ =	shalt  }
0x4d: {  	_ =	shalt  }
0x4e: {  	_ =	shalt  }
0x4f: {  	_ =	shalt  }
0x50: {  	_ =	shalt  }
0x51: {  	_ =	shalt  }
0x52: {  	_ =	shalt  }
0x53: {  	_ =	shalt  }
0x54: {  	_ =	shalt  }
0x55: {  	_ =	shalt  }
0x56: {  	_ =	shalt  }
0x57: {  	_ =	shalt  }
0x58: {  	_ =	shalt  }
0x59: {  	_ =	shalt  }
0x5a: {  	_ =	shalt  }
0x5b: {  	_ =	shalt  }
0x5c: {  	_ =	shalt  }
0x5d: {  	_ =	shalt  }
0x5e: {  	_ =	shalt  }
0x5f: {  	_ =	shalt  }
0x60: {  	_ =	shalt  }
0x61: {  	_ =	shalt  }
0x62: {  	_ =	shalt  }
0x63: {  	_ =	shalt  }
0x64: {  	_ =	shalt  }
0x65: {  	_ =	shalt  }
0x66: {  	_ =	shalt  }
0x67: {  	_ =	shalt  }
0x68: {  	_ =	shalt  }
0x69: {  	_ =	shalt  }
0x6a: {  	_ =	shalt  }
0x6b: {  	_ =	shalt  }
0x6c: {  	_ =	shalt  }
0x6d: {  	_ =	shalt  }
0x6e: {  	_ =	shalt  }
0x6f: {  	_ =	shalt  }
0x70: {  	_ =	shalt  }
0x71: {  	_ =	shalt  }
0x72: {  	_ =	shalt  }
0x73: {  	_ =	shalt  }
0x74: {  	_ =	shalt  }
0x75: {  	_ =	shalt  }
0x76: {  	_ =	shalt  }
0x77: {  	_ =	shalt  }
0x78: {  	_ =	shalt  }
0x79: {  	_ =	shalt  }
0x7a: {  	_ =	shalt  }
0x7b: {  	_ =	shalt  }
0x7c: {  	_ =	shalt  }
0x7d: {  	_ =	shalt  }
0x7e: {  	_ =	shalt  }
0x7f: {  	_ =	shalt  }
0x80: {  	_ =	shalt  }
0x81: {  	_ =	shalt  }
0x82: {  	_ =	shalt  }
0x83: {  	_ =	shalt  }
0x84: {  	_ =	shalt  }
0x85: {  	_ =	shalt  }
0x86: {  	_ =	shalt  }
0x87: {  	_ =	shalt  }
.Lfunc_end0:
.L_simem_size_0:
called_computation_lowered:
.L_overlay_start_0:
0x88: {  	s2 =	sld [smem:$0x3FD9]  }
0x89: {  	s3 =	sld [smem:$0x3FFE];
	_ =	sdelay $0x1  }
0x8a: {  	s1 =	srdreg.scid  }
0x8b: {  	s0 =	sand.u32 $0x1, s1  }
0x8c: {  	s17 =	sshll.u32 s0, $0xA;
	s2 =	sadd.s32 s3, s2  }
0x8d: {  	s2 =	sadd.s32 s2, s17  }
0x8e: {  	[smem:$0x3FC0] =	sst s2  }
0x8f: {  	_ = 	snop  }
0x90: {  	s2 =	sld [smem:$0x3FD0];
	(tm) =	ssettm $0x1  }
0x91: {  	s18 =	sld [smem:$0x3FFB];
	_ =	sdelay $0x3  }
0x92: {  	_ =	strace s18  }
0x93: {  	s3 =	sld [smem:$0x3FFC];
	_ =	sdelay $0x3  }
0x94: {  	_ =	strace s3  }
0x95: {  	s3 =	sld [smem:$0x3FFD];
	_ =	sdelay $0x3  }
0x96: {  	_ =	strace s3  }
0x97: {  	_ =	strace $0x8FFFFFFF  }
0x98: {  	s19 =	sld [smem:$0x3FDB];
	_ =	sdelay $0x1  }
0x99: {  	s4 =	simm.s32 $_scs_section_size  }
0x9a: {  	s5 =	simm.s32 $_size__tile_overlayer_lowered;
	s6 =	simm.s32 $_tile_overlayer_lowered  }
0x9b: {  	s22 =	simm.s32 $0x1BFF;
	s21 =	sshll.u32 s6, $0x1;
	s3 =	sadd.s32 s4, s19  }
0x9c: {  	s7 =	simm.s32 $0x0;
	s20 =	sshll.u32 s5, $0x1;
	s5 =	sadd.s32 s21, s3  }
0x9d: {  	[timem:s7], [sflag:s22] =	dma.local [hbm:s5], s20  }
0x9e: {  	_ =	swait.ge [sflag:s22], s20  }
0x9f: {  	s4 =	ssub.s32 $0x0, s20;
	[sflag:s22] =	ssyncset.done $0x0  }
0xa0: {  	[sflag:s22] =	ssyncadd.s32 s4;
	_ =	sdelay $0x1  }
0xa1: {  	s23 =	simm.s32 $0x1B8B  }
0xa2: {  	_ =	swait.ge [sflag:s23], $0x1  }
0xa3: {  	[sflag:s23] =	ssyncset.done $0x0  }
0xa4: {  	s25 =	simm.s32 $0x1B8E;
	s24 =	sld [smem:$0x3FFE];
	[sflag:s23] =	ssyncadd.s32 $0xFFFFFFFF  }
0xa5: {  	s26 =	simm.s32 $execute0_lowered;
	[smem:$0x3FD2] =	sst s25  }
0xa6: {  	s5 =	sshll.u32 s26, $0x1;
	_ =	strace $0x80000046;
	[dreg:$0x1] =	wrdreg $0xFFFFFFFF  }
0xa7: {  	s28 =	simm.s32 $_size_execute0_lowered;
	s3 =	sadd.s32 s3, s5;
	[dreg:$0x0] =	wrdreg $0x0  }
0xa8: {  	s5 =	sshll.u32 s28, $0x1;
	[dreg:$0x2] =	wrdreg s3  }
0xa9: {  	[dreg:$0x3] =	wrdreg s5  }
0xaa: {  	[dreg:$0x4] =	wrdreg $0xC0  }
0xab: {  	_ =	task [dreg:s7], $0x5FFFF  }
0xac: {  	[dreg:$0x1] =	wrdreg $0xFFFFFFFF  }
0xad: {  	[dreg:$0x0] =	wrdreg $0x60  }
0xae: {  	[dreg:$0x2] =	wrdreg s2  }
0xaf: {  	[dreg:$0x3] =	wrdreg s24  }
0xb0: {  	[dreg:$0x4] =	wrdreg $0x38000  }
0xb1: {  	[dreg:$0x5] =	wrdreg $0x9  }
0xb2: {  	_ =	task.clear_ibuf [dreg:s7], $0x6FFFF;
	_ =	strace $0x90000046  }
0xb3: {  	s29 =	simm.s32 $0x9;
	_ =	strace $0x80000048  }
0xb4: {  	_ =	swait.ge [sflag:s29], $0x1  }
0xb5: {  	[sflag:s29] =	ssyncadd.s32 $0xFFFFFFFF  }
0xb6: {  	_ =	strace $0x90000048  }
0xb7: {  	_ =	sfence  }
0xb8: {  	s30 =	sld [smem:$0x0];
	_ =	sdelay $0x2  }
0xb9: {  	s31 =	sshll.u32 s1, $0xD;
	s1 =	sshrl.u32 s1, $0x2  }
0xba: {  	s3 =	sand.u32 $0x4000, s31;
	s1 =	sadd.s32 s1, s30  }
0xbb: {  	s0 =	sor.u32 s3, s0;
	s1 =	sshll.u32 s1, $0x11  }
0xbc: {  	s0 =	sor.u32 s1, s0  }
0xbd: {  	s0 =	sadd.s32 $0x8F2B, s0  }
0xbe: {  	[sflag:s0] =	ssyncadd.remote.s32 $0x1  }
0xbf: {  	_ =	sfence.sel $0xFFFF  }
0xc0: {  	[dreg:$0x0] =	wrdreg $0xFFFFFFFF;
	(pc) =	sbr.abs _section_cstart, $3  }
0xc1: {  	[dreg:$0x1] =	wrdreg $0xFFFFFFFF  }
0xc2: {  	_ =	task.clear_ibuf [dreg:s7], $0x2FFFF;
	_ =	strace $0x9FFFFFFF  }
0xc3: {  	(tm) =	ssettm $0x7FFFFFFF  }
tec
execute0_lowered:
.L_overlay_start_1:
0x0: {  	(tag) =	ssettag $0x1  }
0x1: {  	s6 =	rddreg [dreg:$0x0]  }
0x2: {  	s4 =	rddreg [dreg:$0x1]  }
0x3: {  	s5 =	rddreg [dreg:$0x2]  }
0x4: {  	s2 =	srdreg.scid;
	s0 =	rddreg [dreg:$0x3]  }
0x5: {  	s1 =	stileid.u32;
	s13 =	simm.s32 $0x800;
	s14 =	simm.s32 $0x1  }
0x6: {  	s15 =	simm.s32 $0x3400;
	s16 =	simm.s32 $0x3000;
	s17 =	simm.s32 $0x0  }
0x7: {  	s3 =	sand.u32 $0x1, s2;
	s2 =	simm.s32 $0x0;
	s8 =	sshll.u32 s1, $0x1  }
0x8: {  	s9 =	sshll.u32 s1, $0xA;
	s11 =	smul.u32 $0xA000, s1;
	p0 =	sgt.u32 s1, $0x9  }
0x9: {  	s7 =	smul.u32 $0x2800, s3;
	[smem:$0x7FF] =	sst s2;
	s8 =	sor.u32 s3, s8  }
0xa: {  	s10 =	ssub.s32 $0x2, s3;
	s3 =	sadd.s32 $0x2C00, s4;
	_ =	strace $0x80000047  }
0xb: {  	s8 =	smul.u32 $0x2710, s8;
	s30 =	sshrl.u32 s10, $0x1;
	s7 =	sadd.s32 s9, s7  }
.Ltmp0:
0xc: {  	s31 =	sshrl.u32 s11, $0x2;
	s7 =	sshrl.u32 s7, $0x3;
	(pc) =	sbr.rel .LBB2_1-.Ltmp0, $4  }
0xd: {  	s10 =	ssub.s32 s10, s30;
	s8 =	sshrl.u32 s8, $0x3;
	s7 =	sadd.s32 s7, s4  }
0xe: {  	s4 =	sadd.s32 s31, s5;
	s5 =	sadd.s32 s9, s5;
	s6 =	sadd.s32 s6, s8  }
0xf: {  	s8 =	smax.u32 s10, $0x1;
	s7 =	sadd.s32 $0x3200, s7;
	s9 =	sadd.s32 $0xFA, s6  }
0x10: {  	v0 =	vimm.f32 $1.000000000e+00;
	s10 =	sadd.s32 $0x1F4, s6;
	s11 =	sadd.s32 $0x2EE, s6;
	s12 =	sadd.s32 $0x3E8, s6  }
.LBB2_14:
0x11: {  	[tilespmem:$0x37F0] =	vst v1  }
0x12: {  	[hbm4b:s7+s2] =	stream.linear.scatter [tilespmem:s15], [sflag:$0x1], $0x400, $0x38;
	[tilespmem:$0x6000] =	vst v63  }
0x13: {  	_ =	swait.ge [sflag:s14], $0x400  }
0x14: {  	[sflag:s14] =	ssyncset.done $0x0  }
0x15: {  	[sflag:s14] =	ssyncadd.s32 $0xFFFFFC00  }
.LBB2_15:
0x16: {  	s17 =	sadd.s32 $0x1, s17  }
0x17: {  	p1 =	sne.s32 s17, s8  }
.Ltmp1:
0x18: {  	_ = 	snop;
	(pc) =	sbr.rel @!p1 .LBB2_16-.Ltmp1, $1  }
0x19: {  	_ =	sdelay $0x3  }
.LBB2_1:
0x1a: {  	[tilespmem:s13], [sflag:$0x1] =	stream.linear.gather [hbm4b:s3+s2], $0x2800, $0x38;
	[tilespmem:$0x6000] =	vst v63  }
0x1b: {  	_ =	swait.ge [sflag:s14], $0x2800  }
0x1c: {  	[sflag:s14] =	ssyncset.done $0x0  }
0x1d: {  	[sflag:s14] =	ssyncadd.s32 $0xFFFFD800  }
0x1e: {  	[tilespmem:s2], [sflag:$0x1] =	stream.linear.gather [hbm4b:s6+s2], $0x7D0, $0x38;
	[tilespmem:$0x6000] =	vst v63  }
0x1f: {  	_ =	swait.ge [sflag:s14], $0x7D0  }
0x20: {  	[sflag:s14] =	ssyncset.done $0x0  }
0x21: {  	s19 =	simm.s32 $0x0;
	s18 =	simm.s32 $0x40;
	[sflag:s14] =	ssyncadd.s32 $0xFFFFF830  }
.LBB2_2:
0x22: {  	p1 =	sne.s32 s18, $0x1F00;
	v1 =	vld [tilespmem:s19+$0x0];
	_ =	sdelay $0x3  }
.Ltmp2:
0x23: {  	(pc) =	sbr.rel @p1 .LBB2_2-.Ltmp2, $2  }
0x24: {  	_ =	sdelay $0x2  }
0x25: {  	s19 =	sshra.s32 s18, $0x2;
	s18 =	sadd.s32 $0x40, s18;
	[tilespmem:v1+s13+$0x0] =	vst.idx.add.f32.msk $0xffff, v0  }
0x26: {  	v1 =	vld [tilespmem:s19+$0x0];
	_ =	sdelay $0x7  }
0x27: {  	s18 =	simm.s32 $0x0;
	[tilespmem:v1+s13+$0x0] =	vst.idx.add.f32.msk $0xffff, v0  }
0x28: {  	[tilespmem:s18], [sflag:$0x1] =	stream.linear.gather [hbm4b:s9+s18], $0x7D0, $0x38;
	[tilespmem:$0x6000] =	vst v63  }
0x29: {  	_ =	swait.ge [sflag:s14], $0x7D0  }
0x2a: {  	[sflag:s14] =	ssyncset.done $0x0  }
0x2b: {  	s19 =	simm.s32 $0x0;
	s18 =	simm.s32 $0x40;
	[sflag:s14] =	ssyncadd.s32 $0xFFFFF830  }
.LBB2_4:
0x2c: {  	p1 =	sne.s32 s18, $0x1F00;
	v1 =	vld [tilespmem:s19+$0x0];
	_ =	sdelay $0x3  }
.Ltmp3:
0x2d: {  	(pc) =	sbr.rel @p1 .LBB2_4-.Ltmp3, $2  }
0x2e: {  	_ =	sdelay $0x2  }
0x2f: {  	s19 =	sshra.s32 s18, $0x2;
	s18 =	sadd.s32 $0x40, s18;
	[tilespmem:v1+s13+$0x0] =	vst.idx.add.f32.msk $0xffff, v0  }
0x30: {  	v1 =	vld [tilespmem:s19+$0x0];
	_ =	sdelay $0x7  }
0x31: {  	s18 =	simm.s32 $0x0;
	[tilespmem:v1+s13+$0x0] =	vst.idx.add.f32.msk $0xffff, v0  }
0x32: {  	[tilespmem:s18], [sflag:$0x1] =	stream.linear.gather [hbm4b:s10+s18], $0x7D0, $0x38;
	[tilespmem:$0x6000] =	vst v63  }
0x33: {  	_ =	swait.ge [sflag:s14], $0x7D0  }
0x34: {  	[sflag:s14] =	ssyncset.done $0x0  }
0x35: {  	s19 =	simm.s32 $0x0;
	s18 =	simm.s32 $0x40;
	[sflag:s14] =	ssyncadd.s32 $0xFFFFF830  }
.LBB2_6:
0x36: {  	p1 =	sne.s32 s18, $0x1F00;
	v1 =	vld [tilespmem:s19+$0x0];
	_ =	sdelay $0x3  }
.Ltmp4:
0x37: {  	(pc) =	sbr.rel @p1 .LBB2_6-.Ltmp4, $2  }
0x38: {  	_ =	sdelay $0x2  }
0x39: {  	s19 =	sshra.s32 s18, $0x2;
	s18 =	sadd.s32 $0x40, s18;
	[tilespmem:v1+s13+$0x0] =	vst.idx.add.f32.msk $0xffff, v0  }
0x3a: {  	v1 =	vld [tilespmem:s19+$0x0];
	_ =	sdelay $0x7  }
0x3b: {  	s18 =	simm.s32 $0x0;
	[tilespmem:v1+s13+$0x0] =	vst.idx.add.f32.msk $0xffff, v0  }
0x3c: {  	[tilespmem:s18], [sflag:$0x1] =	stream.linear.gather [hbm4b:s11+s18], $0x7D0, $0x38;
	[tilespmem:$0x6000] =	vst v63  }
0x3d: {  	_ =	swait.ge [sflag:s14], $0x7D0  }
0x3e: {  	[sflag:s14] =	ssyncset.done $0x0  }
0x3f: {  	s19 =	simm.s32 $0x0;
	s18 =	simm.s32 $0x40;
	[sflag:s14] =	ssyncadd.s32 $0xFFFFF830  }
.LBB2_8:
0x40: {  	p1 =	sne.s32 s18, $0x1F00;
	v1 =	vld [tilespmem:s19+$0x0];
	_ =	sdelay $0x3  }
.Ltmp5:
0x41: {  	(pc) =	sbr.rel @p1 .LBB2_8-.Ltmp5, $2  }
0x42: {  	_ =	sdelay $0x2  }
0x43: {  	s19 =	sshra.s32 s18, $0x2;
	s18 =	sadd.s32 $0x40, s18;
	[tilespmem:v1+s13+$0x0] =	vst.idx.add.f32.msk $0xffff, v0  }
0x44: {  	v1 =	vld [tilespmem:s19+$0x0];
	_ =	sdelay $0x7  }
0x45: {  	s18 =	simm.s32 $0x0;
	[tilespmem:v1+s13+$0x0] =	vst.idx.add.f32.msk $0xffff, v0  }
0x46: {  	[tilespmem:s18], [sflag:$0x1] =	stream.linear.gather [hbm4b:s12+s18], $0x7D0, $0x38;
	[tilespmem:$0x6000] =	vst v63  }
0x47: {  	_ =	swait.ge [sflag:s14], $0x7D0  }
0x48: {  	[sflag:s14] =	ssyncset.done $0x0  }
0x49: {  	s19 =	simm.s32 $0x0;
	s18 =	simm.s32 $0x40;
	[sflag:s14] =	ssyncadd.s32 $0xFFFFF830  }
.LBB2_10:
0x4a: {  	p1 =	sne.s32 s18, $0x1F00;
	v1 =	vld [tilespmem:s19+$0x0];
	_ =	sdelay $0x3  }
.Ltmp6:
0x4b: {  	(pc) =	sbr.rel @p1 .LBB2_10-.Ltmp6, $2  }
0x4c: {  	_ =	sdelay $0x2  }
0x4d: {  	s19 =	sshra.s32 s18, $0x2;
	s18 =	sadd.s32 $0x40, s18;
	[tilespmem:v1+s13+$0x0] =	vst.idx.add.f32.msk $0xffff, v0  }
0x4e: {  	v1 =	vld [tilespmem:s19+$0x0];
	_ =	sdelay $0x7  }
0x4f: {  	[tilespmem:v1+s13+$0x0] =	vst.idx.add.f32.msk $0xffff, v0  }
0x50: {  	[spmem:s4] =	stream.linear.scatter [tilespmem:s13], [sflag:$0x1], $0x2800, $0x38;
	[tilespmem:$0x6000] =	vst v63  }
.Ltmp7:
0x51: {  	_ =	swait.ge [sflag:s14], $0x2800;
	(pc) =	sbr.rel @p0 .LBB2_15-.Ltmp7, $3  }
0x52: {  	[sflag:s14] =	ssyncset.done $0x0  }
0x53: {  	[sflag:s14] =	ssyncadd.s32 $0xFFFFD800  }
0x54: {  	[bflag:$0x0] =	sbarrier.arrive $0xFFFF;
	_ =	sdelay $0x1  }
0x55: {  	[tilespmem:s15], [sflag:$0x1] =	stream.linear.gather [spmem:s5], $0x400, $0x38;
	[tilespmem:$0x6000] =	vst v63  }
0x56: {  	_ =	swait.ge [sflag:s14], $0x400  }
0x57: {  	[sflag:s14] =	ssyncset.done $0x0  }
0x58: {  	s18 =	sadd.s32 $0x2800, s5;
	[sflag:s14] =	ssyncadd.s32 $0xFFFFFC00  }
0x59: {  	[tilespmem:s16], [sflag:$0x1] =	stream.linear.gather [spmem:s18], $0x400, $0x38;
	[tilespmem:$0x6000] =	vst v63  }
0x5a: {  	_ =	swait.ge [sflag:s14], $0x400  }
0x5b: {  	[sflag:s14] =	ssyncset.done $0x0  }
0x5c: {  	[sflag:s14] =	ssyncadd.s32 $0xFFFFFC00  }
0x5d: {  	v1 =	vld [tilespmem:$0x32B0]  }
0x5e: {  	v3 =	vld [tilespmem:$0x3410]  }
0x5f: {  	v4 =	vld [tilespmem:$0x3010]  }
0x60: {  	v5 =	vld [tilespmem:$0x3420]  }
0x61: {  	v6 =	vld [tilespmem:$0x3020]  }
0x62: {  	v7 =	vld [tilespmem:$0x3430]  }
0x63: {  	v8 =	vld [tilespmem:$0x3030]  }
0x64: {  	v9 =	vld [tilespmem:$0x3440]  }
0x65: {  	v10 =	vld [tilespmem:$0x3040]  }
0x66: {  	v11 =	vld [tilespmem:$0x3450]  }
0x67: {  	v12 =	vld [tilespmem:$0x3050]  }
0x68: {  	v13 =	vld [tilespmem:$0x3460]  }
0x69: {  	v14 =	vld [tilespmem:$0x3060]  }
0x6a: {  	v15 =	vld [tilespmem:$0x3470]  }
0x6b: {  	v16 =	vld [tilespmem:$0x3070]  }
0x6c: {  	v17 =	vld [tilespmem:$0x3480]  }
0x6d: {  	v18 =	vld [tilespmem:$0x3080]  }
0x6e: {  	v19 =	vld [tilespmem:$0x3490]  }
0x6f: {  	v20 =	vld [tilespmem:$0x3090]  }
0x70: {  	v21 =	vld [tilespmem:$0x34A0]  }
0x71: {  	v22 =	vld [tilespmem:$0x30A0]  }
0x72: {  	v23 =	vld [tilespmem:$0x34B0]  }
0x73: {  	v24 =	vld [tilespmem:$0x30B0]  }
0x74: {  	v25 =	vld [tilespmem:$0x34C0]  }
0x75: {  	v26 =	vld [tilespmem:$0x30C0]  }
0x76: {  	v27 =	vld [tilespmem:$0x34D0]  }
0x77: {  	v28 =	vld [tilespmem:$0x30D0]  }
0x78: {  	v29 =	vld [tilespmem:$0x34E0]  }
0x79: {  	v30 =	vld [tilespmem:$0x30E0]  }
0x7a: {  	v31 =	vld [tilespmem:$0x34F0]  }
0x7b: {  	v32 =	vld [tilespmem:$0x30F0]  }
0x7c: {  	v33 =	vld [tilespmem:$0x3500]  }
0x7d: {  	v34 =	vld [tilespmem:$0x3100]  }
0x7e: {  	v35 =	vld [tilespmem:$0x3510]  }
0x7f: {  	v36 =	vld [tilespmem:$0x3110]  }
0x80: {  	v37 =	vld [tilespmem:$0x3520]  }
0x81: {  	v38 =	vld [tilespmem:$0x3120]  }
0x82: {  	v39 =	vld [tilespmem:$0x3530]  }
0x83: {  	v40 =	vld [tilespmem:$0x3130]  }
0x84: {  	v41 =	vld [tilespmem:$0x3540]  }
0x85: {  	v42 =	vld [tilespmem:$0x3140]  }
0x86: {  	v43 =	vld [tilespmem:$0x3550]  }
0x87: {  	v44 =	vld [tilespmem:$0x3150]  }
0x88: {  	v45 =	vld [tilespmem:$0x3560]  }
0x89: {  	v46 =	vld [tilespmem:$0x3160]  }
0x8a: {  	v47 =	vld [tilespmem:$0x3570]  }
0x8b: {  	v48 =	vld [tilespmem:$0x3170]  }
0x8c: {  	v49 =	vld [tilespmem:$0x3580]  }
0x8d: {  	v50 =	vld [tilespmem:$0x3180]  }
0x8e: {  	v51 =	vld [tilespmem:$0x3590]  }
0x8f: {  	v52 =	vld [tilespmem:$0x3190]  }
0x90: {  	v53 =	vld [tilespmem:$0x35A0]  }
0x91: {  	v54 =	vld [tilespmem:$0x31A0]  }
0x92: {  	v55 =	vld [tilespmem:$0x35B0]  }
0x93: {  	v56 =	vld [tilespmem:$0x31B0]  }
0x94: {  	v57 =	vld [tilespmem:$0x35C0]  }
0x95: {  	v58 =	vld [tilespmem:$0x31C0]  }
0x96: {  	v59 =	vld [tilespmem:$0x35D0]  }
0x97: {  	v60 =	vld [tilespmem:$0x31D0]  }
0x98: {  	v2 =	vld [tilespmem:$0x3600]  }
0x99: {  	v61 =	vld [tilespmem:$0x35E0]  }
0x9a: {  	v62 =	vld [tilespmem:$0x31E0]  }
0x9b: {  	v63 =	vld [tilespmem:$0x35F0]  }
0x9c: {  	[tilespmem:$0x1FFE0] =	vst v1;
	v1 =	vld [tilespmem:$0x3000]  }
0x9d: {  	[tilespmem:$0x1FFA0] =	vst v2;
	v2 =	vld [tilespmem:$0x3200]  }
0x9e: {  	v3 =	vadd.f32 v4, v3;
	v4 =	vld [tilespmem:$0x3620]  }
0x9f: {  	v5 =	vadd.f32 v6, v5;
	v6 =	vld [tilespmem:$0x3220]  }
0xa0: {  	v14 =	vadd.f32 v14, v13;
	v13 =	vld [tilespmem:$0x3660]  }
0xa1: {  	v18 =	vadd.f32 v18, v17;
	v17 =	vld [tilespmem:$0x3680]  }
0xa2: {  	v22 =	vadd.f32 v22, v21;
	v21 =	vld [tilespmem:$0x36A0];
	[tilespmem:$0x3410] =	vst v3  }
0xa3: {  	v26 =	vadd.f32 v26, v25;
	v25 =	vld [tilespmem:$0x36C0];
	[tilespmem:$0x3420] =	vst v5  }
0xa4: {  	v49 =	vadd.f32 v50, v49;
	v50 =	vld [tilespmem:$0x32D0];
	v3 =	vadd.f32 v8, v7;
	[tilespmem:$0x3460] =	vst v14  }
0xa5: {  	v38 =	vadd.f32 v38, v37;
	v37 =	vld [tilespmem:$0x3730];
	[tilespmem:$0x3480] =	vst v18  }
0xa6: {  	v42 =	vadd.f32 v42, v41;
	v41 =	vld [tilespmem:$0x3750];
	[tilespmem:$0x3430] =	vst v3;
	v3 =	vadd.f32 v12, v11  }
0xa7: {  	v46 =	vadd.f32 v46, v45;
	v45 =	vld [tilespmem:$0x3770];
	[tilespmem:$0x34A0] =	vst v22  }
0xa8: {  	v7 =	vld [tilespmem:$0x3630];
	[tilespmem:$0x3450] =	vst v3;
	v3 =	vadd.f32 v16, v15  }
0xa9: {  	v8 =	vld [tilespmem:$0x3230];
	[tilespmem:$0x34C0] =	vst v26  }
0xaa: {  	v5 =	vadd.f32 v10, v9;
	v9 =	vld [tilespmem:$0x3640];
	[tilespmem:$0x3470] =	vst v3;
	v3 =	vadd.f32 v20, v19  }
0xab: {  	v10 =	vld [tilespmem:$0x3240];
	[tilespmem:$0x3520] =	vst v38  }
0xac: {  	v14 =	vld [tilespmem:$0x3260];
	[tilespmem:$0x3490] =	vst v3;
	v3 =	vadd.f32 v24, v23  }
0xad: {  	v18 =	vld [tilespmem:$0x3280];
	[tilespmem:$0x3540] =	vst v42  }
0xae: {  	v22 =	vld [tilespmem:$0x32A0];
	[tilespmem:$0x34B0] =	vst v3;
	v3 =	vadd.f32 v28, v27  }
0xaf: {  	v26 =	vld [tilespmem:$0x32C0];
	[tilespmem:$0x1FFB0] =	vst v2  }
0xb0: {  	v2 =	vld [tilespmem:$0x3610];
	[tilespmem:$0x34D0] =	vst v3;
	v3 =	vadd.f32 v32, v31  }
0xb1: {  	v38 =	vld [tilespmem:$0x3330];
	[tilespmem:$0x1FFF0] =	vst v1  }
0xb2: {  	v1 =	vld [tilespmem:$0x31F0];
	[tilespmem:$0x34F0] =	vst v3;
	v3 =	vadd.f32 v36, v35  }
0xb3: {  	[tilespmem:$0x3580] =	vst v49;
	v42 =	vld [tilespmem:$0x3350]  }
0xb4: {  	v49 =	vld [tilespmem:$0x3380];
	[tilespmem:$0x3510] =	vst v3;
	v3 =	vadd.f32 v40, v39  }
0xb5: {  	v11 =	vld [tilespmem:$0x3650];
	[tilespmem:$0x1FFC0] =	vst v2  }
0xb6: {  	v2 =	vld [tilespmem:$0x3210];
	[tilespmem:$0x3530] =	vst v3;
	v3 =	vadd.f32 v44, v43  }
0xb7: {  	[tilespmem:$0x3560] =	vst v46;
	v12 =	vld [tilespmem:$0x3250];
	v1 =	vadd.f32 v1, v63  }
0xb8: {  	v15 =	vld [tilespmem:$0x3670];
	[tilespmem:$0x3550] =	vst v3;
	v3 =	vadd.f32 v48, v47  }
0xb9: {  	v16 =	vld [tilespmem:$0x3270];
	[tilespmem:$0x35F0] =	vst v1  }
0xba: {  	v46 =	vld [tilespmem:$0x1FFF0];
	[tilespmem:$0x3570] =	vst v3;
	v3 =	vadd.f32 v52, v51  }
0xbb: {  	v19 =	vld [tilespmem:$0x3690];
	[tilespmem:$0x1FFD0] =	vst v2  }
0xbc: {  	v1 =	vld [tilespmem:$0x1FFC0];
	[tilespmem:$0x3590] =	vst v3;
	v3 =	vadd.f32 v56, v55  }
0xbd: {  	v55 =	vadd.f32 v58, v57;
	v58 =	vadd.f32 v62, v61;
	v62 =	vld [tilespmem:$0x1FFD0]  }
0xbe: {  	v20 =	vld [tilespmem:$0x3290]  }
0xbf: {  	v30 =	vadd.f32 v30, v29;
	v23 =	vld [tilespmem:$0x36B0]  }
0xc0: {  	v34 =	vadd.f32 v34, v33;
	v24 =	vld [tilespmem:$0x3400]  }
0xc1: {  	[tilespmem:$0x34E0] =	vst v30;
	v63 =	vld [tilespmem:$0x3720]  }
0xc2: {  	[tilespmem:$0x3500] =	vst v34;
	v2 =	vld [tilespmem:$0x1FFA0];
	v1 =	vadd.f32 v62, v1  }
0xc3: {  	[tilespmem:$0x3440] =	vst v5;
	v36 =	vld [tilespmem:$0x3320];
	v52 =	vadd.f32 v54, v53  }
0xc4: {  	v39 =	vld [tilespmem:$0x3740];
	[tilespmem:$0x3610] =	vst v1;
	v1 =	vadd.f32 v8, v7  }
0xc5: {  	v40 =	vld [tilespmem:$0x3340];
	[tilespmem:$0x35A0] =	vst v52  }
0xc6: {  	v43 =	vld [tilespmem:$0x3760];
	[tilespmem:$0x3630] =	vst v1;
	v1 =	vadd.f32 v12, v11  }
0xc7: {  	[tilespmem:$0x35B0] =	vst v3;
	v3 =	vadd.f32 v60, v59;
	v60 =	vld [tilespmem:$0x1FFB0]  }
0xc8: {  	v48 =	vld [tilespmem:$0x36D0];
	[tilespmem:$0x3650] =	vst v1;
	v1 =	vadd.f32 v16, v15  }
0xc9: {  	v61 =	vld [tilespmem:$0x3310];
	[tilespmem:$0x35D0] =	vst v3  }
0xca: {  	v3 =	vld [tilespmem:$0x3710];
	[tilespmem:$0x3670] =	vst v1;
	v1 =	vadd.f32 v20, v19  }
0xcb: {  	v44 =	vld [tilespmem:$0x3360];
	[tilespmem:$0x35C0] =	vst v55  }
0xcc: {  	v2 =	vadd.f32 v60, v2;
	[tilespmem:$0x3690] =	vst v1;
	v1 =	vld [tilespmem:$0x1FFE0]  }
0xcd: {  	v47 =	vld [tilespmem:$0x3780];
	v48 =	vadd.f32 v50, v48;
	[tilespmem:$0x35E0] =	vst v58  }
0xce: {  	v51 =	vld [tilespmem:$0x36E0];
	[tilespmem:$0x3600] =	vst v2;
	v2 =	vadd.f32 v6, v4  }
0xcf: {  	v53 =	vld [tilespmem:$0x32E0];
	[tilespmem:$0x36D0] =	vst v48;
	v3 =	vadd.f32 v61, v3  }
0xd0: {  	v54 =	vld [tilespmem:$0x36F0];
	[tilespmem:$0x3620] =	vst v2;
	v2 =	vadd.f32 v10, v9  }
0xd1: {  	v57 =	vld [tilespmem:$0x3700];
	[tilespmem:$0x3710] =	vst v3;
	v1 =	vadd.f32 v1, v23  }
0xd2: {  	v59 =	vld [tilespmem:$0x3300];
	v15 =	vadd.f32 v46, v24;
	[tilespmem:$0x3640] =	vst v2  }
0xd3: {  	v56 =	vld [tilespmem:$0x32F0];
	[tilespmem:$0x36B0] =	vst v1;
	v1 =	vadd.f32 v26, v25  }
0xd4: {  	v52 =	vld [tilespmem:$0x3390];
	v2 =	vadd.f32 v14, v13;
	[tilespmem:$0x3400] =	vst v15  }
0xd5: {  	v50 =	vld [tilespmem:$0x3790];
	[tilespmem:$0x36C0] =	vst v1;
	v1 =	vadd.f32 v53, v51  }
0xd6: {  	v55 =	vld [tilespmem:$0x37B0];
	[tilespmem:$0x3660] =	vst v2;
	v2 =	vadd.f32 v18, v17  }
0xd7: {  	v58 =	vld [tilespmem:$0x33C0];
	[tilespmem:$0x36E0] =	vst v1;
	v1 =	vadd.f32 v59, v57  }
0xd8: {  	v62 =	vld [tilespmem:$0x37F0];
	[tilespmem:$0x3680] =	vst v2;
	v2 =	vadd.f32 v22, v21  }
0xd9: {  	v60 =	vld [tilespmem:$0x37E0];
	[tilespmem:$0x3700] =	vst v1;
	v1 =	vadd.f32 v36, v63  }
0xda: {  	v3 =	vadd.f32 v38, v37;
	[tilespmem:$0x36A0] =	vst v2;
	v2 =	vld [tilespmem:$0x3370]  }
0xdb: {  	v53 =	vld [tilespmem:$0x37A0];
	[tilespmem:$0x3720] =	vst v1;
	v1 =	vadd.f32 v40, v39  }
0xdc: {  	[tilespmem:$0x3730] =	vst v3;
	v3 =	vadd.f32 v42, v41;
	v51 =	vadd.f32 v56, v54;
	v54 =	vld [tilespmem:$0x33A0]  }
0xdd: {  	v61 =	vld [tilespmem:$0x33E0];
	[tilespmem:$0x3740] =	vst v1;
	v1 =	vadd.f32 v44, v43  }
0xde: {  	[tilespmem:$0x3750] =	vst v3;
	v57 =	vld [tilespmem:$0x37C0]  }
0xdf: {  	v56 =	vld [tilespmem:$0x33B0];
	[tilespmem:$0x3760] =	vst v1;
	v1 =	vadd.f32 v49, v47  }
0xe0: {  	v3 =	vld [tilespmem:$0x33D0];
	v2 =	vadd.f32 v2, v45;
	[tilespmem:$0x36F0] =	vst v51  }
0xe1: {  	v59 =	vld [tilespmem:$0x37D0];
	[tilespmem:$0x3780] =	vst v1;
	v1 =	vadd.f32 v54, v53  }
0xe2: {  	[tilespmem:$0x3770] =	vst v2;
	v2 =	vadd.f32 v52, v50;
	v63 =	vld [tilespmem:$0x33F0]  }
0xe3: {  	[tilespmem:$0x37A0] =	vst v1;
	v1 =	vadd.f32 v58, v57  }
0xe4: {  	[tilespmem:$0x3790] =	vst v2;
	v2 =	vadd.f32 v56, v55  }
0xe5: {  	[tilespmem:$0x37C0] =	vst v1;
	v1 =	vadd.f32 v61, v60  }
0xe6: {  	[tilespmem:$0x37B0] =	vst v2;
	v2 =	vadd.f32 v3, v59  }
0xe7: {  	[tilespmem:$0x37E0] =	vst v1;
	v1 =	vadd.f32 v63, v62  }
0xe8: {  	s18 =	simm.s32 $0x14000;
	[tilespmem:$0x37D0] =	vst v2  }
.LBB2_13:
0xe9: {  	s19 =	sshra.s32 s18, $0x2;
	p1 =	sne.s32 s18, $0x96000;
	s18 =	sadd.s32 $0xA000, s18;
	[tilespmem:$0x37F0] =	vst v1  }
0xea: {  	s19 =	sadd.s32 s19, s5  }
0xeb: {  	[tilespmem:s16], [sflag:$0x1] =	stream.linear.gather [spmem:s19], $0x400, $0x38;
	[tilespmem:$0x6000] =	vst v63  }
0xec: {  	_ =	swait.ge [sflag:s14], $0x400  }
0xed: {  	[sflag:s14] =	ssyncset.done $0x0  }
0xee: {  	[sflag:s14] =	ssyncadd.s32 $0xFFFFFC00  }
0xef: {  	v2 =	vld [tilespmem:$0x32B0]  }
0xf0: {  	v1 =	vld [tilespmem:$0x3000]  }
0xf1: {  	v3 =	vld [tilespmem:$0x3410]  }
0xf2: {  	v4 =	vld [tilespmem:$0x3010]  }
0xf3: {  	v5 =	vld [tilespmem:$0x3420]  }
0xf4: {  	v6 =	vld [tilespmem:$0x3020]  }
0xf5: {  	v7 =	vld [tilespmem:$0x3430]  }
0xf6: {  	v8 =	vld [tilespmem:$0x3030]  }
0xf7: {  	v3 =	vadd.f32 v4, v3;
	v4 =	vld [tilespmem:$0x3440]  }
0xf8: {  	v9 =	vld [tilespmem:$0x3040]  }
0xf9: {  	[tilespmem:$0x3410] =	vst v3;
	v3 =	vadd.f32 v6, v5;
	v5 =	vld [tilespmem:$0x3450]  }
0xfa: {  	v6 =	vld [tilespmem:$0x3050]  }
0xfb: {  	[tilespmem:$0x3420] =	vst v3;
	v3 =	vadd.f32 v8, v7;
	v7 =	vld [tilespmem:$0x3460]  }
0xfc: {  	v8 =	vld [tilespmem:$0x3060]  }
0xfd: {  	[tilespmem:$0x3430] =	vst v3;
	v3 =	vadd.f32 v9, v4;
	v4 =	vld [tilespmem:$0x3470]  }
0xfe: {  	v9 =	vld [tilespmem:$0x3070]  }
0xff: {  	[tilespmem:$0x3440] =	vst v3;
	v3 =	vadd.f32 v6, v5;
	v5 =	vld [tilespmem:$0x3480]  }
0x100: {  	v6 =	vld [tilespmem:$0x3080]  }
0x101: {  	[tilespmem:$0x3450] =	vst v3;
	v3 =	vadd.f32 v8, v7;
	v7 =	vld [tilespmem:$0x3490]  }
0x102: {  	v8 =	vld [tilespmem:$0x3090]  }
0x103: {  	[tilespmem:$0x3460] =	vst v3;
	v3 =	vadd.f32 v9, v4;
	v4 =	vld [tilespmem:$0x34A0]  }
0x104: {  	v9 =	vld [tilespmem:$0x30A0]  }
0x105: {  	[tilespmem:$0x3470] =	vst v3;
	v3 =	vadd.f32 v6, v5;
	v5 =	vld [tilespmem:$0x34B0]  }
0x106: {  	v6 =	vld [tilespmem:$0x30B0]  }
0x107: {  	[tilespmem:$0x3480] =	vst v3;
	v3 =	vadd.f32 v8, v7;
	v7 =	vld [tilespmem:$0x34C0]  }
0x108: {  	v8 =	vld [tilespmem:$0x30C0]  }
0x109: {  	[tilespmem:$0x3490] =	vst v3;
	v3 =	vadd.f32 v9, v4;
	v4 =	vld [tilespmem:$0x34D0]  }
0x10a: {  	v9 =	vld [tilespmem:$0x30D0]  }
0x10b: {  	[tilespmem:$0x34A0] =	vst v3;
	v3 =	vadd.f32 v6, v5;
	v5 =	vld [tilespmem:$0x34E0]  }
0x10c: {  	v6 =	vld [tilespmem:$0x30E0]  }
0x10d: {  	[tilespmem:$0x34B0] =	vst v3;
	v3 =	vadd.f32 v8, v7;
	v7 =	vld [tilespmem:$0x34F0]  }
0x10e: {  	v8 =	vld [tilespmem:$0x30F0]  }
0x10f: {  	[tilespmem:$0x34C0] =	vst v3;
	v3 =	vadd.f32 v9, v4;
	v4 =	vld [tilespmem:$0x3500]  }
0x110: {  	v9 =	vld [tilespmem:$0x3100]  }
0x111: {  	[tilespmem:$0x34D0] =	vst v3;
	v3 =	vadd.f32 v6, v5;
	v5 =	vld [tilespmem:$0x3510]  }
0x112: {  	v6 =	vld [tilespmem:$0x3110]  }
0x113: {  	[tilespmem:$0x34E0] =	vst v3;
	v3 =	vadd.f32 v8, v7;
	v7 =	vld [tilespmem:$0x3520]  }
0x114: {  	v8 =	vld [tilespmem:$0x3120]  }
0x115: {  	[tilespmem:$0x34F0] =	vst v3;
	v3 =	vadd.f32 v9, v4;
	v4 =	vld [tilespmem:$0x3530]  }
0x116: {  	v9 =	vld [tilespmem:$0x3130]  }
0x117: {  	[tilespmem:$0x3500] =	vst v3;
	v3 =	vadd.f32 v6, v5;
	v5 =	vld [tilespmem:$0x3540]  }
0x118: {  	v6 =	vld [tilespmem:$0x3140]  }
0x119: {  	[tilespmem:$0x3510] =	vst v3;
	v3 =	vadd.f32 v8, v7;
	v7 =	vld [tilespmem:$0x3550]  }
0x11a: {  	v8 =	vld [tilespmem:$0x3150]  }
0x11b: {  	[tilespmem:$0x3520] =	vst v3;
	v3 =	vadd.f32 v9, v4;
	v4 =	vld [tilespmem:$0x3560]  }
0x11c: {  	v9 =	vld [tilespmem:$0x3160]  }
0x11d: {  	[tilespmem:$0x3530] =	vst v3;
	v3 =	vadd.f32 v6, v5;
	v5 =	vld [tilespmem:$0x3570]  }
0x11e: {  	v6 =	vld [tilespmem:$0x3170]  }
0x11f: {  	[tilespmem:$0x3540] =	vst v3;
	v3 =	vadd.f32 v8, v7;
	v7 =	vld [tilespmem:$0x3580]  }
0x120: {  	v8 =	vld [tilespmem:$0x3180]  }
0x121: {  	[tilespmem:$0x3550] =	vst v3;
	v3 =	vadd.f32 v9, v4;
	v4 =	vld [tilespmem:$0x3590]  }
0x122: {  	v9 =	vld [tilespmem:$0x3190]  }
0x123: {  	[tilespmem:$0x3560] =	vst v3;
	v3 =	vadd.f32 v6, v5;
	v5 =	vld [tilespmem:$0x35A0]  }
0x124: {  	v6 =	vld [tilespmem:$0x31A0]  }
0x125: {  	[tilespmem:$0x3570] =	vst v3;
	v3 =	vadd.f32 v8, v7;
	v7 =	vld [tilespmem:$0x35B0]  }
0x126: {  	v8 =	vld [tilespmem:$0x31B0]  }
0x127: {  	[tilespmem:$0x3580] =	vst v3;
	v3 =	vadd.f32 v9, v4;
	v4 =	vld [tilespmem:$0x35C0]  }
0x128: {  	v9 =	vld [tilespmem:$0x31C0]  }
0x129: {  	[tilespmem:$0x3590] =	vst v3;
	v3 =	vadd.f32 v6, v5;
	v5 =	vld [tilespmem:$0x35D0]  }
0x12a: {  	v6 =	vld [tilespmem:$0x31D0]  }
0x12b: {  	[tilespmem:$0x35A0] =	vst v3;
	v3 =	vadd.f32 v8, v7;
	v7 =	vld [tilespmem:$0x35E0]  }
0x12c: {  	v8 =	vld [tilespmem:$0x31E0]  }
0x12d: {  	[tilespmem:$0x35B0] =	vst v3;
	v3 =	vadd.f32 v9, v4;
	v4 =	vld [tilespmem:$0x35F0]  }
0x12e: {  	v9 =	vld [tilespmem:$0x31F0]  }
0x12f: {  	[tilespmem:$0x35C0] =	vst v3;
	v3 =	vadd.f32 v6, v5;
	v5 =	vld [tilespmem:$0x3600]  }
0x130: {  	v6 =	vld [tilespmem:$0x3200]  }
0x131: {  	[tilespmem:$0x35D0] =	vst v3;
	v3 =	vadd.f32 v8, v7;
	v7 =	vld [tilespmem:$0x3610]  }
0x132: {  	v8 =	vld [tilespmem:$0x3210]  }
0x133: {  	[tilespmem:$0x35E0] =	vst v3;
	v3 =	vadd.f32 v9, v4;
	v4 =	vld [tilespmem:$0x3620]  }
0x134: {  	v9 =	vld [tilespmem:$0x3220]  }
0x135: {  	[tilespmem:$0x35F0] =	vst v3;
	v3 =	vadd.f32 v6, v5;
	v5 =	vld [tilespmem:$0x3630]  }
0x136: {  	v6 =	vld [tilespmem:$0x3230]  }
0x137: {  	[tilespmem:$0x3600] =	vst v3;
	v3 =	vadd.f32 v8, v7;
	v7 =	vld [tilespmem:$0x3640]  }
0x138: {  	v8 =	vld [tilespmem:$0x3240]  }
0x139: {  	[tilespmem:$0x3610] =	vst v3;
	v3 =	vadd.f32 v9, v4;
	v4 =	vld [tilespmem:$0x3650]  }
0x13a: {  	v9 =	vld [tilespmem:$0x3250]  }
0x13b: {  	[tilespmem:$0x3620] =	vst v3;
	v3 =	vadd.f32 v6, v5;
	v5 =	vld [tilespmem:$0x3660]  }
0x13c: {  	v6 =	vld [tilespmem:$0x3260]  }
0x13d: {  	[tilespmem:$0x3630] =	vst v3;
	v3 =	vadd.f32 v8, v7;
	v7 =	vld [tilespmem:$0x3670]  }
0x13e: {  	v8 =	vld [tilespmem:$0x3270]  }
0x13f: {  	[tilespmem:$0x3640] =	vst v3;
	v3 =	vadd.f32 v9, v4;
	v4 =	vld [tilespmem:$0x3680]  }
0x140: {  	v9 =	vld [tilespmem:$0x3280]  }
0x141: {  	[tilespmem:$0x3650] =	vst v3;
	v3 =	vadd.f32 v6, v5;
	v5 =	vld [tilespmem:$0x3690]  }
0x142: {  	v6 =	vld [tilespmem:$0x3290]  }
0x143: {  	[tilespmem:$0x3660] =	vst v3;
	v3 =	vadd.f32 v8, v7;
	v7 =	vld [tilespmem:$0x36A0]  }
0x144: {  	v8 =	vld [tilespmem:$0x32A0]  }
0x145: {  	[tilespmem:$0x3670] =	vst v3;
	v3 =	vadd.f32 v9, v4;
	v4 =	vld [tilespmem:$0x36B0]  }
0x146: {  	v9 =	vld [tilespmem:$0x3400]  }
0x147: {  	[tilespmem:$0x3680] =	vst v3;
	v3 =	vadd.f32 v6, v5;
	v5 =	vld [tilespmem:$0x36C0]  }
0x148: {  	v6 =	vld [tilespmem:$0x32C0]  }
0x149: {  	[tilespmem:$0x3690] =	vst v3;
	v3 =	vadd.f32 v8, v7;
	v7 =	vld [tilespmem:$0x36D0]  }
0x14a: {  	v2 =	vadd.f32 v2, v4;
	v4 =	vld [tilespmem:$0x32D0]  }
0x14b: {  	v1 =	vadd.f32 v1, v9;
	[tilespmem:$0x36A0] =	vst v3;
	v3 =	vld [tilespmem:$0x36E0]  }
0x14c: {  	[tilespmem:$0x36B0] =	vst v2;
	v2 =	vld [tilespmem:$0x32E0]  }
0x14d: {  	[tilespmem:$0x3400] =	vst v1;
	v1 =	vadd.f32 v6, v5;
	v5 =	vld [tilespmem:$0x36F0]  }
0x14e: {  	v6 =	vld [tilespmem:$0x32F0]  }
0x14f: {  	[tilespmem:$0x36C0] =	vst v1;
	v1 =	vadd.f32 v4, v7;
	v4 =	vld [tilespmem:$0x3700]  }
0x150: {  	v7 =	vld [tilespmem:$0x3300]  }
0x151: {  	[tilespmem:$0x36D0] =	vst v1;
	v1 =	vadd.f32 v2, v3;
	v2 =	vld [tilespmem:$0x3710]  }
0x152: {  	v3 =	vld [tilespmem:$0x3310]  }
0x153: {  	[tilespmem:$0x36E0] =	vst v1;
	v1 =	vadd.f32 v6, v5;
	v5 =	vld [tilespmem:$0x3720]  }
0x154: {  	v6 =	vld [tilespmem:$0x3320]  }
0x155: {  	[tilespmem:$0x36F0] =	vst v1;
	v1 =	vadd.f32 v7, v4;
	v4 =	vld [tilespmem:$0x3730]  }
0x156: {  	v7 =	vld [tilespmem:$0x3330]  }
0x157: {  	[tilespmem:$0x3700] =	vst v1;
	v1 =	vadd.f32 v3, v2;
	v2 =	vld [tilespmem:$0x3740]  }
0x158: {  	v3 =	vld [tilespmem:$0x3340]  }
0x159: {  	[tilespmem:$0x3710] =	vst v1;
	v1 =	vadd.f32 v6, v5;
	v5 =	vld [tilespmem:$0x3750]  }
0x15a: {  	v6 =	vld [tilespmem:$0x3350]  }
0x15b: {  	[tilespmem:$0x3720] =	vst v1;
	v1 =	vadd.f32 v7, v4;
	v4 =	vld [tilespmem:$0x3760]  }
0x15c: {  	v7 =	vld [tilespmem:$0x3360]  }
0x15d: {  	[tilespmem:$0x3730] =	vst v1;
	v1 =	vadd.f32 v3, v2;
	v2 =	vld [tilespmem:$0x3770]  }
0x15e: {  	v3 =	vld [tilespmem:$0x3370]  }
0x15f: {  	[tilespmem:$0x3740] =	vst v1;
	v1 =	vadd.f32 v6, v5;
	v5 =	vld [tilespmem:$0x3780]  }
0x160: {  	v6 =	vld [tilespmem:$0x3380]  }
0x161: {  	[tilespmem:$0x3750] =	vst v1;
	v1 =	vadd.f32 v7, v4;
	v4 =	vld [tilespmem:$0x3790]  }
0x162: {  	v7 =	vld [tilespmem:$0x3390]  }
0x163: {  	[tilespmem:$0x3760] =	vst v1;
	v1 =	vadd.f32 v3, v2;
	v2 =	vld [tilespmem:$0x37A0]  }
0x164: {  	v3 =	vld [tilespmem:$0x33A0]  }
0x165: {  	[tilespmem:$0x3770] =	vst v1;
	v1 =	vadd.f32 v6, v5;
	v5 =	vld [tilespmem:$0x37B0]  }
0x166: {  	v6 =	vld [tilespmem:$0x33B0]  }
0x167: {  	[tilespmem:$0x3780] =	vst v1;
	v1 =	vadd.f32 v7, v4;
	v4 =	vld [tilespmem:$0x37C0]  }
0x168: {  	v7 =	vld [tilespmem:$0x33C0]  }
0x169: {  	[tilespmem:$0x3790] =	vst v1;
	v1 =	vadd.f32 v3, v2;
	v2 =	vld [tilespmem:$0x37D0]  }
0x16a: {  	v3 =	vld [tilespmem:$0x33D0]  }
0x16b: {  	[tilespmem:$0x37A0] =	vst v1;
	v1 =	vadd.f32 v6, v5;
	v5 =	vld [tilespmem:$0x37E0]  }
0x16c: {  	v6 =	vld [tilespmem:$0x33E0]  }
0x16d: {  	[tilespmem:$0x37B0] =	vst v1;
	v1 =	vadd.f32 v7, v4;
	v4 =	vld [tilespmem:$0x37F0]  }
0x16e: {  	v7 =	vld [tilespmem:$0x33F0]  }
.Ltmp8:
0x16f: {  	[tilespmem:$0x37C0] =	vst v1;
	v1 =	vadd.f32 v3, v2;
	(pc) =	sbr.rel @p1 .LBB2_13-.Ltmp8, $3  }
0x170: {  	_ = 	snop  }
0x171: {  	[tilespmem:$0x37D0] =	vst v1;
	v1 =	vadd.f32 v6, v5;
	_ =	sdelay $0x1  }
0x172: {  	[tilespmem:$0x37E0] =	vst v1;
	v1 =	vadd.f32 v7, v4  }
.Ltmp9:
0x173: {  	_ = 	snop;
	(pc) =	sbr.rel .LBB2_14-.Ltmp9, $1  }
0x174: {  	_ =	sdelay $0x3  }
.LBB2_16:
0x175: {  	_ =	sfence.sel $0x180000  }
0x176: {  	[bflag:$0x0] =	sbarrier.arrive $0xFFFF  }
0x177: {  	p0 =	sne.s32 s1, $0x0;
	_ =	strace $0x90000047  }
0x178: {  	s0 =	sadd.s32 @!p0 $0x100000, s0;
	[bflag:$0x2] =	sbarrier.arrive $0xFFFF  }
0x179: {  	[sflag:s0] =	ssyncadd.tile.s32 @!p0 $0x1;
	_ =	shalt  }
.Lfunc_end2:
_tile_overlayer_lowered:
.L_overlay_start_2:
0x17a: {  	(tag) =	ssettag $0x2  }
0x17b: {  	s0 =	rddreg [dreg:$0x0];
	s2 =	stileid.u32  }
0x17c: {  	s1 =	rddreg [dreg:$0x1];
	p0 =	sne.s32 s2, $0x0  }
0x17d: {  	s3 =	rddreg [dreg:$0x2];
	[bflag:$0x3] =	sbarrier.arrive $0xFFFF;
	s2 =	simm.s32 @!p0 $0x1C01  }
0x17e: {  	[timem:s3], [sflag:s2] =	dma.local @!p0 [hbm:s0], s1  }
0x17f: {  	s0 =	simm.s32 @!p0 $0x1  }
0x180: {  	_ =	swait.ge @!p0 [sflag:s0], s1  }
0x181: {  	s1 =	ssub.s32 @!p0 $0x0, s1;
	[sflag:s0] =	ssyncset.done @!p0 $0x0  }
0x182: {  	[sflag:s0] =	ssyncadd.s32 @!p0 s1  }
0x183: {  	[bflag:$0x3] =	sbarrier.arrive $0xFFFF  }
0x184: {  	_ =	shalt  }

</sc_bundles>
